<compile_context>
chip_gen: v7x
topology: tpu7x:2x2x1
jax: 0.10.2.dev20260603
libtpu: 0.0.44.dev20260713+nightly
codegen_flags: <defaults>
</compile_context>

<pallas_src>
import functools

import jax
import jax.numpy as jnp
from jax import lax
from jax.experimental import pallas as pl
from jax.experimental.pallas import tpu as pltpu
from jax.experimental.pallas import tpu_sc as plsc

BATCH = 128
ROW = 8192
LANES = 16
NUM_CORES = 2
NUM_SUBCORES = 16
NUM_WORKERS = NUM_CORES * NUM_SUBCORES
ROWS_PER_W = BATCH // NUM_WORKERS
NCHAINS = 8
QCOLS = ROW // NCHAINS
QCHUNKS = QCOLS // LANES
UNROLL = 2


def _sc_body(score_hbm, ans_hbm, out_hbm, s_v, g_v, st_v, gsem, ssem):
    wid = lax.axis_index("s") * NUM_CORES + lax.axis_index("c")
    base = wid * ROWS_PER_W
    band = pl.multiple_of((wid // 2) * (2 * ROWS_PER_W), 8)
    sub4 = (wid % 2) * ROWS_PER_W

    half = ROWS_PER_W // 2
    pltpu.sync_copy(score_hbm.at[pl.ds(base, half)], s_v.at[pl.ds(0, half)])
    tail_copy = pltpu.async_copy(
        score_hbm.at[pl.ds(base + half, half)], s_v.at[pl.ds(half, half)], ssem
    )

    iota = lax.iota(jnp.int32, LANES)
    ones = jnp.ones((LANES,), jnp.int32)
    imins = []
    gathers = []
    for r in range(ROWS_PER_W):
        if r == half:
            tail_copy.wait()

        def chunk(c, carry, r=r):
            vmax, vchunk, vcnt = carry
            for u in range(UNROLL):
                nmax, nchunk = [], []
                for q in range(NCHAINS):
                    s = s_v[r, pl.ds(c * (UNROLL * LANES) + q * QCOLS + u * LANES, LANES)]
                    pred = s > vmax[q]
                    nmax.append(jnp.where(pred, s, vmax[q]))
                    nchunk.append(jnp.where(pred, vcnt, vchunk[q]))
                vmax, vchunk = nmax, nchunk
                vcnt = vcnt + ones
            return vmax, vchunk, vcnt

        init = (
            [jnp.full((LANES,), -jnp.inf, jnp.float32)] * NCHAINS,
            [jnp.zeros((LANES,), jnp.int32)] * NCHAINS,
            jnp.zeros((LANES,), jnp.int32),
        )
        vmax, vchunk, _ = lax.fori_loop(0, QCHUNKS // UNROLL, chunk, init)
        bm = vmax[0]
        bi = vchunk[0] * LANES + iota
        for q in range(1, NCHAINS):
            vidx = vchunk[q] * LANES + (q * QCOLS) + iota
            p = vmax[q] > bm
            bm = jnp.where(p, vmax[q], bm)
            bi = jnp.where(p, vidx, bi)
        m = jnp.max(bm)
        cand = jnp.where(bm == m, bi, jnp.int32(1 << 30))
        imin = jnp.min(cand)
        imins.append(imin)
        col0 = pl.multiple_of(jnp.bitwise_and(imin, jnp.int32(-128)), 128)
        gathers.append(
            pltpu.async_copy(
                ans_hbm.at[pl.ds(band, 8), pl.ds(col0, 128)],
                g_v.at[r],
                gsem,
            )
        )

    partial = jnp.zeros((LANES,), jnp.float32)
    for r in range(ROWS_PER_W):
        gathers[r].wait()
        imin = imins[r]
        off = jnp.bitwise_and(imin, jnp.int32(127))
        sub = pl.multiple_of(jnp.bitwise_and(off, jnp.int32(-LANES)), LANES)
        av = g_v[r, sub4 + r, pl.ds(sub, LANES)]
        lane = jnp.bitwise_and(off, jnp.int32(LANES - 1))
        partial = partial + jnp.where(iota == lane, av, jnp.float32(0.0))

    st_v[...] = partial
    pltpu.sync_copy(st_v, out_hbm.at[wid])


@jax.jit
def _sc_partials(score, ans_idx):
    mesh = plsc.VectorSubcoreMesh(core_axis_name="c", subcore_axis_name="s")
    return pl.kernel(
        _sc_body,
        out_type=jax.ShapeDtypeStruct((NUM_WORKERS, LANES), jnp.float32),
        mesh=mesh,
        scratch_types=[
            pltpu.VMEM((ROWS_PER_W, ROW), jnp.float32),
            pltpu.VMEM((ROWS_PER_W, 8, 128), jnp.float32),
            pltpu.VMEM((LANES,), jnp.float32),
            pltpu.SemaphoreType.DMA,
            pltpu.SemaphoreType.DMA,
        ],
        compiler_params=pltpu.CompilerParams(needs_layout_passes=False),
    )(score, ans_idx)


def _reduce_body(p_ref, o_ref):
    o_ref[0, 0] = jnp.sum(p_ref[...]) * (100.0 / BATCH)


@jax.jit
def _tc_reduce(partials):
    return pl.pallas_call(
        _reduce_body,
        out_shape=jax.ShapeDtypeStruct((1, 1), jnp.float32),
        in_specs=[pl.BlockSpec(memory_space=pltpu.VMEM)],
        out_specs=pl.BlockSpec(memory_space=pltpu.SMEM),
    )(partials)


def kernel(score, ans_idx):
    partials = _sc_partials(score, ans_idx)
    acc = _tc_reduce(partials)
    return acc[0, 0]

# --- scband reference (transcript-rebuilt; emitter-appended) ---
"""Pipeline reference for scband-accuracy-80839874445363 (READ-ONLY COPY).

The authoritative reference and input builder live on the scoring server;
editing this copy changes nothing except your own understanding.
"""

import jax, jax.numpy as jnp
import numpy as np


def setup_inputs(seed: int = 0) -> dict:
    key = jax.random.key(seed)
    k1, k2 = jax.random.split(key)
    score = jax.random.normal(k1, (128, 8192), dtype=jnp.float32)
    ans_idx = jax.random.uniform(k2, (128, 8192), dtype=jnp.float32)
    return {"score": score, "ans_idx": ans_idx}


def reference(score, ans_idx):
    batch = score.shape[0]
    # torch.sort(score, dim=1, descending=True) -> indices of descending sort
    inds = jnp.argsort(-score, axis=1)
    gathered = jnp.take_along_axis(ans_idx, inds, axis=1)[:, 0]
    accuracy = jnp.sum(gathered) * 100.0 / batch
    return accuracy

if __name__ == "__main__":
    import jax
    _d = setup_inputs()
    print(jax.jit(kernel)(*tuple(_d.values())))

</pallas_src>

<mosaic_0001>
#map = affine_map<(d0, d1) -> (0, 0)>
module attributes {stable_mosaic.version = 14 : i64} {
  func.func @_sc_body(%arg0: i32, %arg1: i32, %arg2: memref<128x8192xf32, #tpu.memory_space<hbm>>, %arg3: memref<128x8192xf32, #tpu.memory_space<hbm>>, %arg4: memref<32x16xf32, #tpu.memory_space<hbm>>, %arg5: memref<4x8192xf32, #tpu.memory_space<vmem>>, %arg6: memref<4x8x128xf32, #tpu.memory_space<vmem>>, %arg7: memref<16xf32, #tpu.memory_space<vmem>>, %arg8: memref<!tpu.dma_semaphore, #tpu.memory_space<semaphore_mem>>, %arg9: memref<!tpu.dma_semaphore, #tpu.memory_space<semaphore_mem>>) attributes {dimension_semantics = [#tpu.dimension_semantics<core_parallel>, #tpu.dimension_semantics<subcore_parallel>], iteration_bounds = array<i64: 2, 16>, scalar_prefetch = 0 : i64, scratch_operands = 5 : i64, tpu.core_type = #tpu.core_type<sc_vector_subcore>, window_params = [{transform_indices = #map}, {transform_indices = #map}, {transform_indices = #map}]} {
    %mul3A = arith.constant 2 : i32
    %mul3A_0 = arith.muli %arg1, %mul3A : i32
    %add3A = arith.addi %mul3A_0, %arg0 : i32
    %mul3A_1 = arith.constant 4 : i32
    %mul3A_2 = arith.muli %add3A, %mul3A_1 : i32
    %jit3A = arith.constant 2 : i32
    %div3A = arith.divsi %add3A, %jit3A : i32
    %sign3A = arith.constant 0 : i32
    %sign3A_3 = arith.cmpi sgt, %add3A, %sign3A : i32
    %sign3A_4 = arith.extui %sign3A_3 : i1 to i32
    %sign3A_5 = arith.constant 0 : i32
    %sign3A_6 = arith.cmpi slt, %add3A, %sign3A_5 : i32
    %sign3A_7 = arith.extui %sign3A_6 : i1 to i32
    %sign3A_8 = arith.subi %sign3A_4, %sign3A_7 : i32
    %sign3A_9 = arith.constant 0 : i32
    %sign3A_10 = arith.cmpi sgt, %jit3A, %sign3A_9 : i32
    %sign3A_11 = arith.extui %sign3A_10 : i1 to i32
    %sign3A_12 = arith.constant 0 : i32
    %sign3A_13 = arith.cmpi slt, %jit3A, %sign3A_12 : i32
    %sign3A_14 = arith.extui %sign3A_13 : i1 to i32
    %sign3A_15 = arith.subi %sign3A_11, %sign3A_14 : i32
    %ne3A = arith.cmpi ne, %sign3A_8, %sign3A_15 : i32
    %rem3A = arith.remsi %add3A, %jit3A : i32
    %ne3A_16 = arith.constant 0 : i32
    %ne3A_17 = arith.cmpi ne, %rem3A, %ne3A_16 : i32
    %and3A = arith.andi %ne3A, %ne3A_17 : i1
    %sub3A = arith.constant 1 : i32
    %sub3A_18 = arith.subi %div3A, %sub3A : i32
    %select_n3A = arith.select %and3A, %sub3A_18, %div3A : i32
    %mul3A_19 = arith.constant 8 : i32
    %mul3A_20 = arith.muli %select_n3A, %mul3A_19 : i32
    %multiple_of3A = tpu.assume_multiple %mul3A_20, 8 : i32
    %jit3A_21 = arith.constant 2 : i32
    %eq3A = arith.constant 0 : i32
    %eq3A_22 = arith.cmpi eq, %jit3A_21, %eq3A : i32
    %jit3A_23 = arith.constant 1 : i32
    %select_n3A_24 = arith.select %eq3A_22, %jit3A_23, %jit3A_21 : i32
    %rem3A_25 = arith.remsi %add3A, %select_n3A_24 : i32
    %ne3A_26 = arith.constant 0 : i32
    %ne3A_27 = arith.cmpi ne, %rem3A_25, %ne3A_26 : i32
    %lt3A = arith.constant 0 : i32
    %lt3A_28 = arith.cmpi slt, %rem3A_25, %lt3A : i32
    %lt3A_29 = arith.constant 0 : i32
    %lt3A_30 = arith.cmpi slt, %select_n3A_24, %lt3A_29 : i32
    %ne3A_31 = arith.xori %lt3A_28, %lt3A_30 : i1
    %and3A_32 = arith.andi %ne3A_31, %ne3A_27 : i1
    %add3A_33 = arith.addi %rem3A_25, %select_n3A_24 : i32
    %select_n3A_34 = arith.select %and3A_32, %add3A_33, %rem3A_25 : i32
    %mul3A_35 = arith.constant 4 : i32
    %mul3A_36 = arith.muli %select_n3A_34, %mul3A_35 : i32
    "tpu.region"() ({
      %run_scoped3A = tpu.sem_alloc : memref<!tpu.dma_semaphore, #tpu.memory_space<semaphore_mem>>
      %dma_start3A_648 = arith.constant 0 : i32
      %dma_start3A_649 = arith.constant 0 : i32
      %dma_start3A_650 = tpu.memref_slice %arg5[%dma_start3A_648, %dma_start3A_649] : memref<4x8192xf32, #tpu.memory_space<vmem>> -> memref<2x8192xf32, #tpu.memory_space<vmem>>
      %dma_start3A_651 = arith.constant 0 : i32
      %dma_start3A_652 = tpu.memref_slice %arg2[%mul3A_2, %dma_start3A_651] : memref<128x8192xf32, #tpu.memory_space<hbm>> -> memref<2x8192xf32, #tpu.memory_space<hbm>>
      %dma_start3A_653 = arith.constant 0 : i32
      %dma_start3A_654 = arith.constant 0 : i32
      %dma_start3A_655 = tpu.memref_slice %arg5[%dma_start3A_653, %dma_start3A_654] : memref<4x8192xf32, #tpu.memory_space<vmem>> -> memref<2x8192xf32, #tpu.memory_space<vmem>>
      %dma_start3A_656 = arith.constant 0 : i32
      %dma_start3A_657 = tpu.memref_slice %arg2[%mul3A_2, %dma_start3A_656] : memref<128x8192xf32, #tpu.memory_space<hbm>> -> memref<2x8192xf32, #tpu.memory_space<hbm>>
      tpu.enqueue_dma source(%dma_start3A_657 : memref<2x8192xf32, #tpu.memory_space<hbm>>) target(%dma_start3A_655 : memref<2x8192xf32, #tpu.memory_space<vmem>>) target_semaphore(%run_scoped3A : memref<!tpu.dma_semaphore, #tpu.memory_space<semaphore_mem>>)
      %dma_wait3A_658 = arith.constant 0 : i32
      %dma_wait3A_659 = arith.constant 0 : i32
      %dma_wait3A_660 = tpu.memref_slice %arg5[%dma_wait3A_658, %dma_wait3A_659] : memref<4x8192xf32, #tpu.memory_space<vmem>> -> memref<2x8192xf32, #tpu.memory_space<vmem>>
      %dma_wait3A_661 = arith.constant 0 : i32
      %dma_wait3A_662 = tpu.memref_slice %arg2[%mul3A_2, %dma_wait3A_661] : memref<128x8192xf32, #tpu.memory_space<hbm>> -> memref<2x8192xf32, #tpu.memory_space<hbm>>
      %dma_wait3A_663 = arith.constant 0 : i32
      %dma_wait3A_664 = arith.constant 0 : i32
      %dma_wait3A_665 = tpu.memref_slice %arg5[%dma_wait3A_663, %dma_wait3A_664] : memref<4x8192xf32, #tpu.memory_space<vmem>> -> memref<2x8192xf32, #tpu.memory_space<vmem>>
      %dma_wait3A_666 = arith.constant 0 : i32
      %dma_wait3A_667 = tpu.memref_slice %arg2[%mul3A_2, %dma_wait3A_666] : memref<128x8192xf32, #tpu.memory_space<hbm>> -> memref<2x8192xf32, #tpu.memory_space<hbm>>
      tpu.wait_dma2 semaphore(%run_scoped3A : memref<!tpu.dma_semaphore, #tpu.memory_space<semaphore_mem>>) src(%dma_wait3A_667 : memref<2x8192xf32, #tpu.memory_space<hbm>>) dst(%dma_wait3A_665 : memref<2x8192xf32, #tpu.memory_space<vmem>>)
      tpu.yield
    }) : () -> ()
    %add3A_37 = arith.constant 2 : i32
    %add3A_38 = arith.addi %mul3A_2, %add3A_37 : i32
    %dma_start3A = arith.constant 2 : i32
    %dma_start3A_39 = arith.constant 0 : i32
    %dma_start3A_40 = tpu.memref_slice %arg5[%dma_start3A, %dma_start3A_39] : memref<4x8192xf32, #tpu.memory_space<vmem>> -> memref<2x8192xf32, #tpu.memory_space<vmem>>
    %dma_start3A_41 = arith.constant 0 : i32
    %dma_start3A_42 = tpu.memref_slice %arg2[%add3A_38, %dma_start3A_41] : memref<128x8192xf32, #tpu.memory_space<hbm>> -> memref<2x8192xf32, #tpu.memory_space<hbm>>
    %dma_start3A_43 = arith.constant 2 : i32
    %dma_start3A_44 = arith.constant 0 : i32
    %dma_start3A_45 = tpu.memref_slice %arg5[%dma_start3A_43, %dma_start3A_44] : memref<4x8192xf32, #tpu.memory_space<vmem>> -> memref<2x8192xf32, #tpu.memory_space<vmem>>
    %dma_start3A_46 = arith.constant 0 : i32
    %dma_start3A_47 = tpu.memref_slice %arg2[%add3A_38, %dma_start3A_46] : memref<128x8192xf32, #tpu.memory_space<hbm>> -> memref<2x8192xf32, #tpu.memory_space<hbm>>
    tpu.enqueue_dma source(%dma_start3A_47 : memref<2x8192xf32, #tpu.memory_space<hbm>>) target(%dma_start3A_45 : memref<2x8192xf32, #tpu.memory_space<vmem>>) target_semaphore(%arg9 : memref<!tpu.dma_semaphore, #tpu.memory_space<semaphore_mem>>)
    %iota3A = tpu.iota {dimensions = array<i32: 0>} : vector<16xi32>
    %broadcast_in_dim3A = arith.constant 1 : i32
    %broadcast_in_dim3A_48 = vector.broadcast %broadcast_in_dim3A : i32 to vector<16xi32>
    %broadcast_in_dim3A_49 = arith.constant 0xFF800000 : f32
    %broadcast_in_dim3A_50 = vector.broadcast %broadcast_in_dim3A_49 : f32 to vector<16xf32>
    %broadcast_in_dim3A_51 = arith.constant 0 : i32
    %broadcast_in_dim3A_52 = vector.broadcast %broadcast_in_dim3A_51 : i32 to vector<16xi32>
    %broadcast_in_dim3A_53 = arith.constant 0 : i32
    %broadcast_in_dim3A_54 = vector.broadcast %broadcast_in_dim3A_53 : i32 to vector<16xi32>
    %scan3A = arith.constant 0 : i32
    %scan3A_55 = arith.constant 32 : i32
    %scan3A_56 = arith.addi %scan3A, %scan3A_55 : i32
    %scan3A_57 = arith.constant 1 : i32
    %scan3A_58:17 = scf.for %scan3A_648 = %scan3A to %scan3A_56 step %scan3A_57 iter_args(%scan3A_649 = %broadcast_in_dim3A_50, %scan3A_650 = %broadcast_in_dim3A_50, %scan3A_651 = %broadcast_in_dim3A_50, %scan3A_652 = %broadcast_in_dim3A_50, %scan3A_653 = %broadcast_in_dim3A_50, %scan3A_654 = %broadcast_in_dim3A_50, %scan3A_655 = %broadcast_in_dim3A_50, %scan3A_656 = %broadcast_in_dim3A_50, %scan3A_657 = %broadcast_in_dim3A_52, %scan3A_658 = %broadcast_in_dim3A_52, %scan3A_659 = %broadcast_in_dim3A_52, %scan3A_660 = %broadcast_in_dim3A_52, %scan3A_661 = %broadcast_in_dim3A_52, %scan3A_662 = %broadcast_in_dim3A_52, %scan3A_663 = %broadcast_in_dim3A_52, %scan3A_664 = %broadcast_in_dim3A_52, %scan3A_665 = %broadcast_in_dim3A_54) -> (vector<16xf32>, vector<16xf32>, vector<16xf32>, vector<16xf32>, vector<16xf32>, vector<16xf32>, vector<16xf32>, vector<16xf32>, vector<16xi32>, vector<16xi32>, vector<16xi32>, vector<16xi32>, vector<16xi32>, vector<16xi32>, vector<16xi32>, vector<16xi32>, vector<16xi32>)  : i32 {
      %mul3A_666 = arith.constant 32 : i32
      %mul3A_667 = arith.muli %scan3A_648, %mul3A_666 : i32
      %add3A_668 = arith.constant 0 : i32
      %add3A_669 = arith.addi %mul3A_667, %add3A_668 : i32
      %add3A_670 = arith.constant 0 : i32
      %add3A_671 = arith.addi %add3A_669, %add3A_670 : i32
      %get3A_672 = arith.constant 0 : i32
      %get3A_673 = arith.index_cast %get3A_672 : i32 to index
      %get3A_674 = arith.index_cast %add3A_671 : i32 to index
      %get3A_675 = tpu.vector_load %arg5[%get3A_673, %get3A_674] {strides = array<i32>} : memref<4x8192xf32, #tpu.memory_space<vmem>>, vector<16xf32>,
      %gt3A_676 = arith.cmpf ogt, %get3A_675, %scan3A_649 : vector<16xf32>
      %select_n3A_677 = arith.select %gt3A_676, %get3A_675, %scan3A_649 : vector<16xi1>, vector<16xf32>
      %select_n3A_678 = arith.select %gt3A_676, %scan3A_665, %scan3A_657 : vector<16xi1>, vector<16xi32>
      %mul3A_679 = arith.constant 32 : i32
      %mul3A_680 = arith.muli %scan3A_648, %mul3A_679 : i32
      %add3A_681 = arith.constant 1024 : i32
      %add3A_682 = arith.addi %mul3A_680, %add3A_681 : i32
      %add3A_683 = arith.constant 0 : i32
      %add3A_684 = arith.addi %add3A_682, %add3A_683 : i32
      %get3A_685 = arith.constant 0 : i32
      %get3A_686 = arith.index_cast %get3A_685 : i32 to index
      %get3A_687 = arith.index_cast %add3A_684 : i32 to index
      %get3A_688 = tpu.vector_load %arg5[%get3A_686, %get3A_687] {strides = array<i32>} : memref<4x8192xf32, #tpu.memory_space<vmem>>, vector<16xf32>,
      %gt3A_689 = arith.cmpf ogt, %get3A_688, %scan3A_650 : vector<16xf32>
      %select_n3A_690 = arith.select %gt3A_689, %get3A_688, %scan3A_650 : vector<16xi1>, vector<16xf32>
      %select_n3A_691 = arith.select %gt3A_689, %scan3A_665, %scan3A_658 : vector<16xi1>, vector<16xi32>
      %mul3A_692 = arith.constant 32 : i32
      %mul3A_693 = arith.muli %scan3A_648, %mul3A_692 : i32
      %add3A_694 = arith.constant 2048 : i32
      %add3A_695 = arith.addi %mul3A_693, %add3A_694 : i32
      %add3A_696 = arith.constant 0 : i32
      %add3A_697 = arith.addi %add3A_695, %add3A_696 : i32
      %get3A_698 = arith.constant 0 : i32
      %get3A_699 = arith.index_cast %get3A_698 : i32 to index
      %get3A_700 = arith.index_cast %add3A_697 : i32 to index
      %get3A_701 = tpu.vector_load %arg5[%get3A_699, %get3A_700] {strides = array<i32>} : memref<4x8192xf32, #tpu.memory_space<vmem>>, vector<16xf32>,
      %gt3A_702 = arith.cmpf ogt, %get3A_701, %scan3A_651 : vector<16xf32>
      %select_n3A_703 = arith.select %gt3A_702, %get3A_701, %scan3A_651 : vector<16xi1>, vector<16xf32>
      %select_n3A_704 = arith.select %gt3A_702, %scan3A_665, %scan3A_659 : vector<16xi1>, vector<16xi32>
      %mul3A_705 = arith.constant 32 : i32
      %mul3A_706 = arith.muli %scan3A_648, %mul3A_705 : i32
      %add3A_707 = arith.constant 3072 : i32
      %add3A_708 = arith.addi %mul3A_706, %add3A_707 : i32
      %add3A_709 = arith.constant 0 : i32
      %add3A_710 = arith.addi %add3A_708, %add3A_709 : i32
      %get3A_711 = arith.constant 0 : i32
      %get3A_712 = arith.index_cast %get3A_711 : i32 to index
      %get3A_713 = arith.index_cast %add3A_710 : i32 to index
      %get3A_714 = tpu.vector_load %arg5[%get3A_712, %get3A_713] {strides = array<i32>} : memref<4x8192xf32, #tpu.memory_space<vmem>>, vector<16xf32>,
      %gt3A_715 = arith.cmpf ogt, %get3A_714, %scan3A_652 : vector<16xf32>
      %select_n3A_716 = arith.select %gt3A_715, %get3A_714, %scan3A_652 : vector<16xi1>, vector<16xf32>
      %select_n3A_717 = arith.select %gt3A_715, %scan3A_665, %scan3A_660 : vector<16xi1>, vector<16xi32>
      %mul3A_718 = arith.constant 32 : i32
      %mul3A_719 = arith.muli %scan3A_648, %mul3A_718 : i32
      %add3A_720 = arith.constant 4096 : i32
      %add3A_721 = arith.addi %mul3A_719, %add3A_720 : i32
      %add3A_722 = arith.constant 0 : i32
      %add3A_723 = arith.addi %add3A_721, %add3A_722 : i32
      %get3A_724 = arith.constant 0 : i32
      %get3A_725 = arith.index_cast %get3A_724 : i32 to index
      %get3A_726 = arith.index_cast %add3A_723 : i32 to index
      %get3A_727 = tpu.vector_load %arg5[%get3A_725, %get3A_726] {strides = array<i32>} : memref<4x8192xf32, #tpu.memory_space<vmem>>, vector<16xf32>,
      %gt3A_728 = arith.cmpf ogt, %get3A_727, %scan3A_653 : vector<16xf32>
      %select_n3A_729 = arith.select %gt3A_728, %get3A_727, %scan3A_653 : vector<16xi1>, vector<16xf32>
      %select_n3A_730 = arith.select %gt3A_728, %scan3A_665, %scan3A_661 : vector<16xi1>, vector<16xi32>
      %mul3A_731 = arith.constant 32 : i32
      %mul3A_732 = arith.muli %scan3A_648, %mul3A_731 : i32
      %add3A_733 = arith.constant 5120 : i32
      %add3A_734 = arith.addi %mul3A_732, %add3A_733 : i32
      %add3A_735 = arith.constant 0 : i32
      %add3A_736 = arith.addi %add3A_734, %add3A_735 : i32
      %get3A_737 = arith.constant 0 : i32
      %get3A_738 = arith.index_cast %get3A_737 : i32 to index
      %get3A_739 = arith.index_cast %add3A_736 : i32 to index
      %get3A_740 = tpu.vector_load %arg5[%get3A_738, %get3A_739] {strides = array<i32>} : memref<4x8192xf32, #tpu.memory_space<vmem>>, vector<16xf32>,
      %gt3A_741 = arith.cmpf ogt, %get3A_740, %scan3A_654 : vector<16xf32>
      %select_n3A_742 = arith.select %gt3A_741, %get3A_740, %scan3A_654 : vector<16xi1>, vector<16xf32>
      %select_n3A_743 = arith.select %gt3A_741, %scan3A_665, %scan3A_662 : vector<16xi1>, vector<16xi32>
      %mul3A_744 = arith.constant 32 : i32
      %mul3A_745 = arith.muli %scan3A_648, %mul3A_744 : i32
      %add3A_746 = arith.constant 6144 : i32
      %add3A_747 = arith.addi %mul3A_745, %add3A_746 : i32
      %add3A_748 = arith.constant 0 : i32
      %add3A_749 = arith.addi %add3A_747, %add3A_748 : i32
      %get3A_750 = arith.constant 0 : i32
      %get3A_751 = arith.index_cast %get3A_750 : i32 to index
      %get3A_752 = arith.index_cast %add3A_749 : i32 to index
      %get3A_753 = tpu.vector_load %arg5[%get3A_751, %get3A_752] {strides = array<i32>} : memref<4x8192xf32, #tpu.memory_space<vmem>>, vector<16xf32>,
      %gt3A_754 = arith.cmpf ogt, %get3A_753, %scan3A_655 : vector<16xf32>
      %select_n3A_755 = arith.select %gt3A_754, %get3A_753, %scan3A_655 : vector<16xi1>, vector<16xf32>
      %select_n3A_756 = arith.select %gt3A_754, %scan3A_665, %scan3A_663 : vector<16xi1>, vector<16xi32>
      %mul3A_757 = arith.constant 32 : i32
      %mul3A_758 = arith.muli %scan3A_648, %mul3A_757 : i32
      %add3A_759 = arith.constant 7168 : i32
      %add3A_760 = arith.addi %mul3A_758, %add3A_759 : i32
      %add3A_761 = arith.constant 0 : i32
      %add3A_762 = arith.addi %add3A_760, %add3A_761 : i32
      %get3A_763 = arith.constant 0 : i32
      %get3A_764 = arith.index_cast %get3A_763 : i32 to index
      %get3A_765 = arith.index_cast %add3A_762 : i32 to index
      %get3A_766 = tpu.vector_load %arg5[%get3A_764, %get3A_765] {strides = array<i32>} : memref<4x8192xf32, #tpu.memory_space<vmem>>, vector<16xf32>,
      %gt3A_767 = arith.cmpf ogt, %get3A_766, %scan3A_656 : vector<16xf32>
      %select_n3A_768 = arith.select %gt3A_767, %get3A_766, %scan3A_656 : vector<16xi1>, vector<16xf32>
      %select_n3A_769 = arith.select %gt3A_767, %scan3A_665, %scan3A_664 : vector<16xi1>, vector<16xi32>
      %add3A_770 = arith.addi %scan3A_665, %broadcast_in_dim3A_48 : vector<16xi32>
      %mul3A_771 = arith.constant 32 : i32
      %mul3A_772 = arith.muli %scan3A_648, %mul3A_771 : i32
      %add3A_773 = arith.constant 0 : i32
      %add3A_774 = arith.addi %mul3A_772, %add3A_773 : i32
      %add3A_775 = arith.constant 16 : i32
      %add3A_776 = arith.addi %add3A_774, %add3A_775 : i32
      %get3A_777 = arith.constant 0 : i32
      %get3A_778 = arith.index_cast %get3A_777 : i32 to index
      %get3A_779 = arith.index_cast %add3A_776 : i32 to index
      %get3A_780 = tpu.vector_load %arg5[%get3A_778, %get3A_779] {strides = array<i32>} : memref<4x8192xf32, #tpu.memory_space<vmem>>, vector<16xf32>,
      %gt3A_781 = arith.cmpf ogt, %get3A_780, %select_n3A_677 : vector<16xf32>
      %select_n3A_782 = arith.select %gt3A_781, %get3A_780, %select_n3A_677 : vector<16xi1>, vector<16xf32>
      %select_n3A_783 = arith.select %gt3A_781, %add3A_770, %select_n3A_678 : vector<16xi1>, vector<16xi32>
      %mul3A_784 = arith.constant 32 : i32
      %mul3A_785 = arith.muli %scan3A_648, %mul3A_784 : i32
      %add3A_786 = arith.constant 1024 : i32
      %add3A_787 = arith.addi %mul3A_785, %add3A_786 : i32
      %add3A_788 = arith.constant 16 : i32
      %add3A_789 = arith.addi %add3A_787, %add3A_788 : i32
      %get3A_790 = arith.constant 0 : i32
      %get3A_791 = arith.index_cast %get3A_790 : i32 to index
      %get3A_792 = arith.index_cast %add3A_789 : i32 to index
      %get3A_793 = tpu.vector_load %arg5[%get3A_791, %get3A_792] {strides = array<i32>} : memref<4x8192xf32, #tpu.memory_space<vmem>>, vector<16xf32>,
      %gt3A_794 = arith.cmpf ogt, %get3A_793, %select_n3A_690 : vector<16xf32>
      %select_n3A_795 = arith.select %gt3A_794, %get3A_793, %select_n3A_690 : vector<16xi1>, vector<16xf32>
      %select_n3A_796 = arith.select %gt3A_794, %add3A_770, %select_n3A_691 : vector<16xi1>, vector<16xi32>
      %mul3A_797 = arith.constant 32 : i32
      %mul3A_798 = arith.muli %scan3A_648, %mul3A_797 : i32
      %add3A_799 = arith.constant 2048 : i32
      %add3A_800 = arith.addi %mul3A_798, %add3A_799 : i32
      %add3A_801 = arith.constant 16 : i32
      %add3A_802 = arith.addi %add3A_800, %add3A_801 : i32
      %get3A_803 = arith.constant 0 : i32
      %get3A_804 = arith.index_cast %get3A_803 : i32 to index
      %get3A_805 = arith.index_cast %add3A_802 : i32 to index
      %get3A_806 = tpu.vector_load %arg5[%get3A_804, %get3A_805] {strides = array<i32>} : memref<4x8192xf32, #tpu.memory_space<vmem>>, vector<16xf32>,
      %gt3A_807 = arith.cmpf ogt, %get3A_806, %select_n3A_703 : vector<16xf32>
      %select_n3A_808 = arith.select %gt3A_807, %get3A_806, %select_n3A_703 : vector<16xi1>, vector<16xf32>
      %select_n3A_809 = arith.select %gt3A_807, %add3A_770, %select_n3A_704 : vector<16xi1>, vector<16xi32>
      %mul3A_810 = arith.constant 32 : i32
      %mul3A_811 = arith.muli %scan3A_648, %mul3A_810 : i32
      %add3A_812 = arith.constant 3072 : i32
      %add3A_813 = arith.addi %mul3A_811, %add3A_812 : i32
      %add3A_814 = arith.constant 16 : i32
      %add3A_815 = arith.addi %add3A_813, %add3A_814 : i32
      %get3A_816 = arith.constant 0 : i32
      %get3A_817 = arith.index_cast %get3A_816 : i32 to index
      %get3A_818 = arith.index_cast %add3A_815 : i32 to index
      %get3A_819 = tpu.vector_load %arg5[%get3A_817, %get3A_818] {strides = array<i32>} : memref<4x8192xf32, #tpu.memory_space<vmem>>, vector<16xf32>,
      %gt3A_820 = arith.cmpf ogt, %get3A_819, %select_n3A_716 : vector<16xf32>
      %select_n3A_821 = arith.select %gt3A_820, %get3A_819, %select_n3A_716 : vector<16xi1>, vector<16xf32>
      %select_n3A_822 = arith.select %gt3A_820, %add3A_770, %select_n3A_717 : vector<16xi1>, vector<16xi32>
      %mul3A_823 = arith.constant 32 : i32
      %mul3A_824 = arith.muli %scan3A_648, %mul3A_823 : i32
      %add3A_825 = arith.constant 4096 : i32
      %add3A_826 = arith.addi %mul3A_824, %add3A_825 : i32
      %add3A_827 = arith.constant 16 : i32
      %add3A_828 = arith.addi %add3A_826, %add3A_827 : i32
      %get3A_829 = arith.constant 0 : i32
      %get3A_830 = arith.index_cast %get3A_829 : i32 to index
      %get3A_831 = arith.index_cast %add3A_828 : i32 to index
      %get3A_832 = tpu.vector_load %arg5[%get3A_830, %get3A_831] {strides = array<i32>} : memref<4x8192xf32, #tpu.memory_space<vmem>>, vector<16xf32>,
      %gt3A_833 = arith.cmpf ogt, %get3A_832, %select_n3A_729 : vector<16xf32>
      %select_n3A_834 = arith.select %gt3A_833, %get3A_832, %select_n3A_729 : vector<16xi1>, vector<16xf32>
      %select_n3A_835 = arith.select %gt3A_833, %add3A_770, %select_n3A_730 : vector<16xi1>, vector<16xi32>
      %mul3A_836 = arith.constant 32 : i32
      %mul3A_837 = arith.muli %scan3A_648, %mul3A_836 : i32
      %add3A_838 = arith.constant 5120 : i32
      %add3A_839 = arith.addi %mul3A_837, %add3A_838 : i32
      %add3A_840 = arith.constant 16 : i32
      %add3A_841 = arith.addi %add3A_839, %add3A_840 : i32
      %get3A_842 = arith.constant 0 : i32
      %get3A_843 = arith.index_cast %get3A_842 : i32 to index
      %get3A_844 = arith.index_cast %add3A_841 : i32 to index
      %get3A_845 = tpu.vector_load %arg5[%get3A_843, %get3A_844] {strides = array<i32>} : memref<4x8192xf32, #tpu.memory_space<vmem>>, vector<16xf32>,
      %gt3A_846 = arith.cmpf ogt, %get3A_845, %select_n3A_742 : vector<16xf32>
      %select_n3A_847 = arith.select %gt3A_846, %get3A_845, %select_n3A_742 : vector<16xi1>, vector<16xf32>
      %select_n3A_848 = arith.select %gt3A_846, %add3A_770, %select_n3A_743 : vector<16xi1>, vector<16xi32>
      %mul3A_849 = arith.constant 32 : i32
      %mul3A_850 = arith.muli %scan3A_648, %mul3A_849 : i32
      %add3A_851 = arith.constant 6144 : i32
      %add3A_852 = arith.addi %mul3A_850, %add3A_851 : i32
      %add3A_853 = arith.constant 16 : i32
      %add3A_854 = arith.addi %add3A_852, %add3A_853 : i32
      %get3A_855 = arith.constant 0 : i32
      %get3A_856 = arith.index_cast %get3A_855 : i32 to index
      %get3A_857 = arith.index_cast %add3A_854 : i32 to index
      %get3A_858 = tpu.vector_load %arg5[%get3A_856, %get3A_857] {strides = array<i32>} : memref<4x8192xf32, #tpu.memory_space<vmem>>, vector<16xf32>,
      %gt3A_859 = arith.cmpf ogt, %get3A_858, %select_n3A_755 : vector<16xf32>
      %select_n3A_860 = arith.select %gt3A_859, %get3A_858, %select_n3A_755 : vector<16xi1>, vector<16xf32>
      %select_n3A_861 = arith.select %gt3A_859, %add3A_770, %select_n3A_756 : vector<16xi1>, vector<16xi32>
      %mul3A_862 = arith.constant 32 : i32
      %mul3A_863 = arith.muli %scan3A_648, %mul3A_862 : i32
      %add3A_864 = arith.constant 7168 : i32
      %add3A_865 = arith.addi %mul3A_863, %add3A_864 : i32
      %add3A_866 = arith.constant 16 : i32
      %add3A_867 = arith.addi %add3A_865, %add3A_866 : i32
      %get3A_868 = arith.constant 0 : i32
      %get3A_869 = arith.index_cast %get3A_868 : i32 to index
      %get3A_870 = arith.index_cast %add3A_867 : i32 to index
      %get3A_871 = tpu.vector_load %arg5[%get3A_869, %get3A_870] {strides = array<i32>} : memref<4x8192xf32, #tpu.memory_space<vmem>>, vector<16xf32>,
      %gt3A_872 = arith.cmpf ogt, %get3A_871, %select_n3A_768 : vector<16xf32>
      %select_n3A_873 = arith.select %gt3A_872, %get3A_871, %select_n3A_768 : vector<16xi1>, vector<16xf32>
      %select_n3A_874 = arith.select %gt3A_872, %add3A_770, %select_n3A_769 : vector<16xi1>, vector<16xi32>
      %add3A_875 = arith.addi %add3A_770, %broadcast_in_dim3A_48 : vector<16xi32>
      scf.yield %select_n3A_782, %select_n3A_795, %select_n3A_808, %select_n3A_821, %select_n3A_834, %select_n3A_847, %select_n3A_860, %select_n3A_873, %select_n3A_783, %select_n3A_796, %select_n3A_809, %select_n3A_822, %select_n3A_835, %select_n3A_848, %select_n3A_861, %select_n3A_874, %add3A_875 : vector<16xf32>, vector<16xf32>, vector<16xf32>, vector<16xf32>, vector<16xf32>, vector<16xf32>, vector<16xf32>, vector<16xf32>, vector<16xi32>, vector<16xi32>, vector<16xi32>, vector<16xi32>, vector<16xi32>, vector<16xi32>, vector<16xi32>, vector<16xi32>, vector<16xi32>
    }
    %scan3A_59 = arith.constant 32 : i32
    %mul3A_60 = arith.constant 16 : i32
    %mul3A_61 = vector.broadcast %mul3A_60 : i32 to vector<16xi32>
    %mul3A_62 = arith.muli %scan3A_58#8, %mul3A_61 : vector<16xi32>
    %add3A_63 = arith.addi %mul3A_62, %iota3A : vector<16xi32>
    %mul3A_64 = arith.constant 16 : i32
    %mul3A_65 = vector.broadcast %mul3A_64 : i32 to vector<16xi32>
    %mul3A_66 = arith.muli %scan3A_58#9, %mul3A_65 : vector<16xi32>
    %add3A_67 = arith.constant 1024 : i32
    %add3A_68 = vector.broadcast %add3A_67 : i32 to vector<16xi32>
    %add3A_69 = arith.addi %mul3A_66, %add3A_68 : vector<16xi32>
    %add3A_70 = arith.addi %add3A_69, %iota3A : vector<16xi32>
    %gt3A = arith.cmpf ogt, %scan3A_58#1, %scan3A_58#0 : vector<16xf32>
    %select_n3A_71 = arith.select %gt3A, %scan3A_58#1, %scan3A_58#0 : vector<16xi1>, vector<16xf32>
    %select_n3A_72 = arith.select %gt3A, %add3A_70, %add3A_63 : vector<16xi1>, vector<16xi32>
    %mul3A_73 = arith.constant 16 : i32
    %mul3A_74 = vector.broadcast %mul3A_73 : i32 to vector<16xi32>
    %mul3A_75 = arith.muli %scan3A_58#10, %mul3A_74 : vector<16xi32>
    %add3A_76 = arith.constant 2048 : i32
    %add3A_77 = vector.broadcast %add3A_76 : i32 to vector<16xi32>
    %add3A_78 = arith.addi %mul3A_75, %add3A_77 : vector<16xi32>
    %add3A_79 = arith.addi %add3A_78, %iota3A : vector<16xi32>
    %gt3A_80 = arith.cmpf ogt, %scan3A_58#2, %select_n3A_71 : vector<16xf32>
    %select_n3A_81 = arith.select %gt3A_80, %scan3A_58#2, %select_n3A_71 : vector<16xi1>, vector<16xf32>
    %select_n3A_82 = arith.select %gt3A_80, %add3A_79, %select_n3A_72 : vector<16xi1>, vector<16xi32>
    %mul3A_83 = arith.constant 16 : i32
    %mul3A_84 = vector.broadcast %mul3A_83 : i32 to vector<16xi32>
    %mul3A_85 = arith.muli %scan3A_58#11, %mul3A_84 : vector<16xi32>
    %add3A_86 = arith.constant 3072 : i32
    %add3A_87 = vector.broadcast %add3A_86 : i32 to vector<16xi32>
    %add3A_88 = arith.addi %mul3A_85, %add3A_87 : vector<16xi32>
    %add3A_89 = arith.addi %add3A_88, %iota3A : vector<16xi32>
    %gt3A_90 = arith.cmpf ogt, %scan3A_58#3, %select_n3A_81 : vector<16xf32>
    %select_n3A_91 = arith.select %gt3A_90, %scan3A_58#3, %select_n3A_81 : vector<16xi1>, vector<16xf32>
    %select_n3A_92 = arith.select %gt3A_90, %add3A_89, %select_n3A_82 : vector<16xi1>, vector<16xi32>
    %mul3A_93 = arith.constant 16 : i32
    %mul3A_94 = vector.broadcast %mul3A_93 : i32 to vector<16xi32>
    %mul3A_95 = arith.muli %scan3A_58#12, %mul3A_94 : vector<16xi32>
    %add3A_96 = arith.constant 4096 : i32
    %add3A_97 = vector.broadcast %add3A_96 : i32 to vector<16xi32>
    %add3A_98 = arith.addi %mul3A_95, %add3A_97 : vector<16xi32>
    %add3A_99 = arith.addi %add3A_98, %iota3A : vector<16xi32>
    %gt3A_100 = arith.cmpf ogt, %scan3A_58#4, %select_n3A_91 : vector<16xf32>
    %select_n3A_101 = arith.select %gt3A_100, %scan3A_58#4, %select_n3A_91 : vector<16xi1>, vector<16xf32>
    %select_n3A_102 = arith.select %gt3A_100, %add3A_99, %select_n3A_92 : vector<16xi1>, vector<16xi32>
    %mul3A_103 = arith.constant 16 : i32
    %mul3A_104 = vector.broadcast %mul3A_103 : i32 to vector<16xi32>
    %mul3A_105 = arith.muli %scan3A_58#13, %mul3A_104 : vector<16xi32>
    %add3A_106 = arith.constant 5120 : i32
    %add3A_107 = vector.broadcast %add3A_106 : i32 to vector<16xi32>
    %add3A_108 = arith.addi %mul3A_105, %add3A_107 : vector<16xi32>
    %add3A_109 = arith.addi %add3A_108, %iota3A : vector<16xi32>
    %gt3A_110 = arith.cmpf ogt, %scan3A_58#5, %select_n3A_101 : vector<16xf32>
    %select_n3A_111 = arith.select %gt3A_110, %scan3A_58#5, %select_n3A_101 : vector<16xi1>, vector<16xf32>
    %select_n3A_112 = arith.select %gt3A_110, %add3A_109, %select_n3A_102 : vector<16xi1>, vector<16xi32>
    %mul3A_113 = arith.constant 16 : i32
    %mul3A_114 = vector.broadcast %mul3A_113 : i32 to vector<16xi32>
    %mul3A_115 = arith.muli %scan3A_58#14, %mul3A_114 : vector<16xi32>
    %add3A_116 = arith.constant 6144 : i32
    %add3A_117 = vector.broadcast %add3A_116 : i32 to vector<16xi32>
    %add3A_118 = arith.addi %mul3A_115, %add3A_117 : vector<16xi32>
    %add3A_119 = arith.addi %add3A_118, %iota3A : vector<16xi32>
    %gt3A_120 = arith.cmpf ogt, %scan3A_58#6, %select_n3A_111 : vector<16xf32>
    %select_n3A_121 = arith.select %gt3A_120, %scan3A_58#6, %select_n3A_111 : vector<16xi1>, vector<16xf32>
    %select_n3A_122 = arith.select %gt3A_120, %add3A_119, %select_n3A_112 : vector<16xi1>, vector<16xi32>
    %mul3A_123 = arith.constant 16 : i32
    %mul3A_124 = vector.broadcast %mul3A_123 : i32 to vector<16xi32>
    %mul3A_125 = arith.muli %scan3A_58#15, %mul3A_124 : vector<16xi32>
    %add3A_126 = arith.constant 7168 : i32
    %add3A_127 = vector.broadcast %add3A_126 : i32 to vector<16xi32>
    %add3A_128 = arith.addi %mul3A_125, %add3A_127 : vector<16xi32>
    %add3A_129 = arith.addi %add3A_128, %iota3A : vector<16xi32>
    %gt3A_130 = arith.cmpf ogt, %scan3A_58#7, %select_n3A_121 : vector<16xf32>
    %select_n3A_131 = arith.select %gt3A_130, %scan3A_58#7, %select_n3A_121 : vector<16xi1>, vector<16xf32>
    %select_n3A_132 = arith.select %gt3A_130, %add3A_129, %select_n3A_122 : vector<16xi1>, vector<16xi32>
    %reduce_max3A = arith.constant true
    %reduce_max3A_133 = vector.broadcast %reduce_max3A : i1 to vector<16xi1>
    %reduce_max3A_134 = tpu.scan <max>, %select_n3A_131 masked %reduce_max3A_133 : vector<16xf32>, vector<16xi1> -> vector<16xf32>
    %reduce_max3A_135 = vector.extract %reduce_max3A_134[15] : f32 from vector<16xf32>
    %eq3A_136 = vector.broadcast %reduce_max3A_135 : f32 to vector<16xf32>
    %eq3A_137 = arith.cmpf oeq, %select_n3A_131, %eq3A_136 : vector<16xf32>
    %jit3A_138 = arith.constant 1073741824 : i32
    %broadcast_in_dim3A_139 = vector.broadcast %jit3A_138 : i32 to vector<16xi32>
    %select_n3A_140 = arith.select %eq3A_137, %select_n3A_132, %broadcast_in_dim3A_139 : vector<16xi1>, vector<16xi32>
    %reduce_min3A = arith.constant true
    %reduce_min3A_141 = vector.broadcast %reduce_min3A : i1 to vector<16xi1>
    %reduce_min3A_142 = arith.constant -2147483648 : i32
    %reduce_min3A_143 = vector.broadcast %reduce_min3A_142 : i32 to vector<16xi32>
    %reduce_min3A_144 = arith.xori %select_n3A_140, %reduce_min3A_143 : vector<16xi32>
    %reduce_min3A_145 = tpu.scan <min>, %reduce_min3A_144 masked %reduce_min3A_141 : vector<16xi32>, vector<16xi1> -> vector<16xi32>
    %reduce_min3A_146 = arith.xori %reduce_min3A_145, %reduce_min3A_143 : vector<16xi32>
    %reduce_min3A_147 = vector.extract %reduce_min3A_146[15] : i32 from vector<16xi32>
    %and3A_148 = arith.constant -128 : i32
    %and3A_149 = arith.andi %reduce_min3A_147, %and3A_148 : i32
    %multiple_of3A_150 = tpu.assume_multiple %and3A_149, 128 : i32
    %dma_start3A_151 = arith.constant 0 : i32
    %dma_start3A_152 = arith.constant 0 : i32
    %dma_start3A_153 = arith.constant 0 : i32
    %dma_start3A_154 = tpu.memref_slice %arg6[%dma_start3A_151, %dma_start3A_152, %dma_start3A_153] : memref<4x8x128xf32, #tpu.memory_space<vmem>> -> memref<1x8x128xf32, #tpu.memory_space<vmem>>
    %dma_start3A_155 = tpu.memref_squeeze %dma_start3A_154 : memref<1x8x128xf32, #tpu.memory_space<vmem>> -> memref<8x128xf32, #tpu.memory_space<vmem>>
    %dma_start3A_156 = tpu.memref_slice %arg3[%multiple_of3A, %multiple_of3A_150] : memref<128x8192xf32, #tpu.memory_space<hbm>> -> memref<8x128xf32, #tpu.memory_space<hbm>>
    %dma_start3A_157 = arith.constant 0 : i32
    %dma_start3A_158 = arith.constant 0 : i32
    %dma_start3A_159 = tpu.memref_slice %arg6[%dma_start3A_151, %dma_start3A_157, %dma_start3A_158] : memref<4x8x128xf32, #tpu.memory_space<vmem>> -> memref<1x8x128xf32, #tpu.memory_space<vmem>>
    %dma_start3A_160 = tpu.memref_squeeze %dma_start3A_159 : memref<1x8x128xf32, #tpu.memory_space<vmem>> -> memref<8x128xf32, #tpu.memory_space<vmem>>
    %dma_start3A_161 = tpu.memref_slice %arg3[%multiple_of3A, %multiple_of3A_150] : memref<128x8192xf32, #tpu.memory_space<hbm>> -> memref<8x128xf32, #tpu.memory_space<hbm>>
    tpu.enqueue_dma source(%dma_start3A_161 : memref<8x128xf32, #tpu.memory_space<hbm>>) target(%dma_start3A_160 : memref<8x128xf32, #tpu.memory_space<vmem>>) target_semaphore(%arg8 : memref<!tpu.dma_semaphore, #tpu.memory_space<semaphore_mem>>)
    %broadcast_in_dim3A_162 = arith.constant 0xFF800000 : f32
    %broadcast_in_dim3A_163 = vector.broadcast %broadcast_in_dim3A_162 : f32 to vector<16xf32>
    %broadcast_in_dim3A_164 = arith.constant 0 : i32
    %broadcast_in_dim3A_165 = vector.broadcast %broadcast_in_dim3A_164 : i32 to vector<16xi32>
    %broadcast_in_dim3A_166 = arith.constant 0 : i32
    %broadcast_in_dim3A_167 = vector.broadcast %broadcast_in_dim3A_166 : i32 to vector<16xi32>
    %scan3A_168 = arith.constant 0 : i32
    %scan3A_169 = arith.constant 32 : i32
    %scan3A_170 = arith.addi %scan3A_168, %scan3A_169 : i32
    %scan3A_171 = arith.constant 1 : i32
    %scan3A_172:17 = scf.for %scan3A_648 = %scan3A_168 to %scan3A_170 step %scan3A_171 iter_args(%scan3A_649 = %broadcast_in_dim3A_163, %scan3A_650 = %broadcast_in_dim3A_163, %scan3A_651 = %broadcast_in_dim3A_163, %scan3A_652 = %broadcast_in_dim3A_163, %scan3A_653 = %broadcast_in_dim3A_163, %scan3A_654 = %broadcast_in_dim3A_163, %scan3A_655 = %broadcast_in_dim3A_163, %scan3A_656 = %broadcast_in_dim3A_163, %scan3A_657 = %broadcast_in_dim3A_165, %scan3A_658 = %broadcast_in_dim3A_165, %scan3A_659 = %broadcast_in_dim3A_165, %scan3A_660 = %broadcast_in_dim3A_165, %scan3A_661 = %broadcast_in_dim3A_165, %scan3A_662 = %broadcast_in_dim3A_165, %scan3A_663 = %broadcast_in_dim3A_165, %scan3A_664 = %broadcast_in_dim3A_165, %scan3A_665 = %broadcast_in_dim3A_167) -> (vector<16xf32>, vector<16xf32>, vector<16xf32>, vector<16xf32>, vector<16xf32>, vector<16xf32>, vector<16xf32>, vector<16xf32>, vector<16xi32>, vector<16xi32>, vector<16xi32>, vector<16xi32>, vector<16xi32>, vector<16xi32>, vector<16xi32>, vector<16xi32>, vector<16xi32>)  : i32 {
      %mul3A_666 = arith.constant 32 : i32
      %mul3A_667 = arith.muli %scan3A_648, %mul3A_666 : i32
      %add3A_668 = arith.constant 0 : i32
      %add3A_669 = arith.addi %mul3A_667, %add3A_668 : i32
      %add3A_670 = arith.constant 0 : i32
      %add3A_671 = arith.addi %add3A_669, %add3A_670 : i32
      %get3A_672 = arith.constant 1 : i32
      %get3A_673 = arith.index_cast %get3A_672 : i32 to index
      %get3A_674 = arith.index_cast %add3A_671 : i32 to index
      %get3A_675 = tpu.vector_load %arg5[%get3A_673, %get3A_674] {strides = array<i32>} : memref<4x8192xf32, #tpu.memory_space<vmem>>, vector<16xf32>,
      %gt3A_676 = arith.cmpf ogt, %get3A_675, %scan3A_649 : vector<16xf32>
      %select_n3A_677 = arith.select %gt3A_676, %get3A_675, %scan3A_649 : vector<16xi1>, vector<16xf32>
      %select_n3A_678 = arith.select %gt3A_676, %scan3A_665, %scan3A_657 : vector<16xi1>, vector<16xi32>
      %mul3A_679 = arith.constant 32 : i32
      %mul3A_680 = arith.muli %scan3A_648, %mul3A_679 : i32
      %add3A_681 = arith.constant 1024 : i32
      %add3A_682 = arith.addi %mul3A_680, %add3A_681 : i32
      %add3A_683 = arith.constant 0 : i32
      %add3A_684 = arith.addi %add3A_682, %add3A_683 : i32
      %get3A_685 = arith.constant 1 : i32
      %get3A_686 = arith.index_cast %get3A_685 : i32 to index
      %get3A_687 = arith.index_cast %add3A_684 : i32 to index
      %get3A_688 = tpu.vector_load %arg5[%get3A_686, %get3A_687] {strides = array<i32>} : memref<4x8192xf32, #tpu.memory_space<vmem>>, vector<16xf32>,
      %gt3A_689 = arith.cmpf ogt, %get3A_688, %scan3A_650 : vector<16xf32>
      %select_n3A_690 = arith.select %gt3A_689, %get3A_688, %scan3A_650 : vector<16xi1>, vector<16xf32>
      %select_n3A_691 = arith.select %gt3A_689, %scan3A_665, %scan3A_658 : vector<16xi1>, vector<16xi32>
      %mul3A_692 = arith.constant 32 : i32
      %mul3A_693 = arith.muli %scan3A_648, %mul3A_692 : i32
      %add3A_694 = arith.constant 2048 : i32
      %add3A_695 = arith.addi %mul3A_693, %add3A_694 : i32
      %add3A_696 = arith.constant 0 : i32
      %add3A_697 = arith.addi %add3A_695, %add3A_696 : i32
      %get3A_698 = arith.constant 1 : i32
      %get3A_699 = arith.index_cast %get3A_698 : i32 to index
      %get3A_700 = arith.index_cast %add3A_697 : i32 to index
      %get3A_701 = tpu.vector_load %arg5[%get3A_699, %get3A_700] {strides = array<i32>} : memref<4x8192xf32, #tpu.memory_space<vmem>>, vector<16xf32>,
      %gt3A_702 = arith.cmpf ogt, %get3A_701, %scan3A_651 : vector<16xf32>
      %select_n3A_703 = arith.select %gt3A_702, %get3A_701, %scan3A_651 : vector<16xi1>, vector<16xf32>
      %select_n3A_704 = arith.select %gt3A_702, %scan3A_665, %scan3A_659 : vector<16xi1>, vector<16xi32>
      %mul3A_705 = arith.constant 32 : i32
      %mul3A_706 = arith.muli %scan3A_648, %mul3A_705 : i32
      %add3A_707 = arith.constant 3072 : i32
      %add3A_708 = arith.addi %mul3A_706, %add3A_707 : i32
      %add3A_709 = arith.constant 0 : i32
      %add3A_710 = arith.addi %add3A_708, %add3A_709 : i32
      %get3A_711 = arith.constant 1 : i32
      %get3A_712 = arith.index_cast %get3A_711 : i32 to index
      %get3A_713 = arith.index_cast %add3A_710 : i32 to index
      %get3A_714 = tpu.vector_load %arg5[%get3A_712, %get3A_713] {strides = array<i32>} : memref<4x8192xf32, #tpu.memory_space<vmem>>, vector<16xf32>,
      %gt3A_715 = arith.cmpf ogt, %get3A_714, %scan3A_652 : vector<16xf32>
      %select_n3A_716 = arith.select %gt3A_715, %get3A_714, %scan3A_652 : vector<16xi1>, vector<16xf32>
      %select_n3A_717 = arith.select %gt3A_715, %scan3A_665, %scan3A_660 : vector<16xi1>, vector<16xi32>
      %mul3A_718 = arith.constant 32 : i32
      %mul3A_719 = arith.muli %scan3A_648, %mul3A_718 : i32
      %add3A_720 = arith.constant 4096 : i32
      %add3A_721 = arith.addi %mul3A_719, %add3A_720 : i32
      %add3A_722 = arith.constant 0 : i32
      %add3A_723 = arith.addi %add3A_721, %add3A_722 : i32
      %get3A_724 = arith.constant 1 : i32
      %get3A_725 = arith.index_cast %get3A_724 : i32 to index
      %get3A_726 = arith.index_cast %add3A_723 : i32 to index
      %get3A_727 = tpu.vector_load %arg5[%get3A_725, %get3A_726] {strides = array<i32>} : memref<4x8192xf32, #tpu.memory_space<vmem>>, vector<16xf32>,
      %gt3A_728 = arith.cmpf ogt, %get3A_727, %scan3A_653 : vector<16xf32>
      %select_n3A_729 = arith.select %gt3A_728, %get3A_727, %scan3A_653 : vector<16xi1>, vector<16xf32>
      %select_n3A_730 = arith.select %gt3A_728, %scan3A_665, %scan3A_661 : vector<16xi1>, vector<16xi32>
      %mul3A_731 = arith.constant 32 : i32
      %mul3A_732 = arith.muli %scan3A_648, %mul3A_731 : i32
      %add3A_733 = arith.constant 5120 : i32
      %add3A_734 = arith.addi %mul3A_732, %add3A_733 : i32
      %add3A_735 = arith.constant 0 : i32
      %add3A_736 = arith.addi %add3A_734, %add3A_735 : i32
      %get3A_737 = arith.constant 1 : i32
      %get3A_738 = arith.index_cast %get3A_737 : i32 to index
      %get3A_739 = arith.index_cast %add3A_736 : i32 to index
      %get3A_740 = tpu.vector_load %arg5[%get3A_738, %get3A_739] {strides = array<i32>} : memref<4x8192xf32, #tpu.memory_space<vmem>>, vector<16xf32>,
      %gt3A_741 = arith.cmpf ogt, %get3A_740, %scan3A_654 : vector<16xf32>
      %select_n3A_742 = arith.select %gt3A_741, %get3A_740, %scan3A_654 : vector<16xi1>, vector<16xf32>
      %select_n3A_743 = arith.select %gt3A_741, %scan3A_665, %scan3A_662 : vector<16xi1>, vector<16xi32>
      %mul3A_744 = arith.constant 32 : i32
      %mul3A_745 = arith.muli %scan3A_648, %mul3A_744 : i32
      %add3A_746 = arith.constant 6144 : i32
      %add3A_747 = arith.addi %mul3A_745, %add3A_746 : i32
      %add3A_748 = arith.constant 0 : i32
      %add3A_749 = arith.addi %add3A_747, %add3A_748 : i32
      %get3A_750 = arith.constant 1 : i32
      %get3A_751 = arith.index_cast %get3A_750 : i32 to index
      %get3A_752 = arith.index_cast %add3A_749 : i32 to index
      %get3A_753 = tpu.vector_load %arg5[%get3A_751, %get3A_752] {strides = array<i32>} : memref<4x8192xf32, #tpu.memory_space<vmem>>, vector<16xf32>,
      %gt3A_754 = arith.cmpf ogt, %get3A_753, %scan3A_655 : vector<16xf32>
      %select_n3A_755 = arith.select %gt3A_754, %get3A_753, %scan3A_655 : vector<16xi1>, vector<16xf32>
      %select_n3A_756 = arith.select %gt3A_754, %scan3A_665, %scan3A_663 : vector<16xi1>, vector<16xi32>
      %mul3A_757 = arith.constant 32 : i32
      %mul3A_758 = arith.muli %scan3A_648, %mul3A_757 : i32
      %add3A_759 = arith.constant 7168 : i32
      %add3A_760 = arith.addi %mul3A_758, %add3A_759 : i32
      %add3A_761 = arith.constant 0 : i32
      %add3A_762 = arith.addi %add3A_760, %add3A_761 : i32
      %get3A_763 = arith.constant 1 : i32
      %get3A_764 = arith.index_cast %get3A_763 : i32 to index
      %get3A_765 = arith.index_cast %add3A_762 : i32 to index
      %get3A_766 = tpu.vector_load %arg5[%get3A_764, %get3A_765] {strides = array<i32>} : memref<4x8192xf32, #tpu.memory_space<vmem>>, vector<16xf32>,
      %gt3A_767 = arith.cmpf ogt, %get3A_766, %scan3A_656 : vector<16xf32>
      %select_n3A_768 = arith.select %gt3A_767, %get3A_766, %scan3A_656 : vector<16xi1>, vector<16xf32>
      %select_n3A_769 = arith.select %gt3A_767, %scan3A_665, %scan3A_664 : vector<16xi1>, vector<16xi32>
      %add3A_770 = arith.addi %scan3A_665, %broadcast_in_dim3A_48 : vector<16xi32>
      %mul3A_771 = arith.constant 32 : i32
      %mul3A_772 = arith.muli %scan3A_648, %mul3A_771 : i32
      %add3A_773 = arith.constant 0 : i32
      %add3A_774 = arith.addi %mul3A_772, %add3A_773 : i32
      %add3A_775 = arith.constant 16 : i32
      %add3A_776 = arith.addi %add3A_774, %add3A_775 : i32
      %get3A_777 = arith.constant 1 : i32
      %get3A_778 = arith.index_cast %get3A_777 : i32 to index
      %get3A_779 = arith.index_cast %add3A_776 : i32 to index
      %get3A_780 = tpu.vector_load %arg5[%get3A_778, %get3A_779] {strides = array<i32>} : memref<4x8192xf32, #tpu.memory_space<vmem>>, vector<16xf32>,
      %gt3A_781 = arith.cmpf ogt, %get3A_780, %select_n3A_677 : vector<16xf32>
      %select_n3A_782 = arith.select %gt3A_781, %get3A_780, %select_n3A_677 : vector<16xi1>, vector<16xf32>
      %select_n3A_783 = arith.select %gt3A_781, %add3A_770, %select_n3A_678 : vector<16xi1>, vector<16xi32>
      %mul3A_784 = arith.constant 32 : i32
      %mul3A_785 = arith.muli %scan3A_648, %mul3A_784 : i32
      %add3A_786 = arith.constant 1024 : i32
      %add3A_787 = arith.addi %mul3A_785, %add3A_786 : i32
      %add3A_788 = arith.constant 16 : i32
      %add3A_789 = arith.addi %add3A_787, %add3A_788 : i32
      %get3A_790 = arith.constant 1 : i32
      %get3A_791 = arith.index_cast %get3A_790 : i32 to index
      %get3A_792 = arith.index_cast %add3A_789 : i32 to index
      %get3A_793 = tpu.vector_load %arg5[%get3A_791, %get3A_792] {strides = array<i32>} : memref<4x8192xf32, #tpu.memory_space<vmem>>, vector<16xf32>,
      %gt3A_794 = arith.cmpf ogt, %get3A_793, %select_n3A_690 : vector<16xf32>
      %select_n3A_795 = arith.select %gt3A_794, %get3A_793, %select_n3A_690 : vector<16xi1>, vector<16xf32>
      %select_n3A_796 = arith.select %gt3A_794, %add3A_770, %select_n3A_691 : vector<16xi1>, vector<16xi32>
      %mul3A_797 = arith.constant 32 : i32
      %mul3A_798 = arith.muli %scan3A_648, %mul3A_797 : i32
      %add3A_799 = arith.constant 2048 : i32
      %add3A_800 = arith.addi %mul3A_798, %add3A_799 : i32
      %add3A_801 = arith.constant 16 : i32
      %add3A_802 = arith.addi %add3A_800, %add3A_801 : i32
      %get3A_803 = arith.constant 1 : i32
      %get3A_804 = arith.index_cast %get3A_803 : i32 to index
      %get3A_805 = arith.index_cast %add3A_802 : i32 to index
      %get3A_806 = tpu.vector_load %arg5[%get3A_804, %get3A_805] {strides = array<i32>} : memref<4x8192xf32, #tpu.memory_space<vmem>>, vector<16xf32>,
      %gt3A_807 = arith.cmpf ogt, %get3A_806, %select_n3A_703 : vector<16xf32>
      %select_n3A_808 = arith.select %gt3A_807, %get3A_806, %select_n3A_703 : vector<16xi1>, vector<16xf32>
      %select_n3A_809 = arith.select %gt3A_807, %add3A_770, %select_n3A_704 : vector<16xi1>, vector<16xi32>
      %mul3A_810 = arith.constant 32 : i32
      %mul3A_811 = arith.muli %scan3A_648, %mul3A_810 : i32
      %add3A_812 = arith.constant 3072 : i32
      %add3A_813 = arith.addi %mul3A_811, %add3A_812 : i32
      %add3A_814 = arith.constant 16 : i32
      %add3A_815 = arith.addi %add3A_813, %add3A_814 : i32
      %get3A_816 = arith.constant 1 : i32
      %get3A_817 = arith.index_cast %get3A_816 : i32 to index
      %get3A_818 = arith.index_cast %add3A_815 : i32 to index
      %get3A_819 = tpu.vector_load %arg5[%get3A_817, %get3A_818] {strides = array<i32>} : memref<4x8192xf32, #tpu.memory_space<vmem>>, vector<16xf32>,
      %gt3A_820 = arith.cmpf ogt, %get3A_819, %select_n3A_716 : vector<16xf32>
      %select_n3A_821 = arith.select %gt3A_820, %get3A_819, %select_n3A_716 : vector<16xi1>, vector<16xf32>
      %select_n3A_822 = arith.select %gt3A_820, %add3A_770, %select_n3A_717 : vector<16xi1>, vector<16xi32>
      %mul3A_823 = arith.constant 32 : i32
      %mul3A_824 = arith.muli %scan3A_648, %mul3A_823 : i32
      %add3A_825 = arith.constant 4096 : i32
      %add3A_826 = arith.addi %mul3A_824, %add3A_825 : i32
      %add3A_827 = arith.constant 16 : i32
      %add3A_828 = arith.addi %add3A_826, %add3A_827 : i32
      %get3A_829 = arith.constant 1 : i32
      %get3A_830 = arith.index_cast %get3A_829 : i32 to index
      %get3A_831 = arith.index_cast %add3A_828 : i32 to index
      %get3A_832 = tpu.vector_load %arg5[%get3A_830, %get3A_831] {strides = array<i32>} : memref<4x8192xf32, #tpu.memory_space<vmem>>, vector<16xf32>,
      %gt3A_833 = arith.cmpf ogt, %get3A_832, %select_n3A_729 : vector<16xf32>
      %select_n3A_834 = arith.select %gt3A_833, %get3A_832, %select_n3A_729 : vector<16xi1>, vector<16xf32>
      %select_n3A_835 = arith.select %gt3A_833, %add3A_770, %select_n3A_730 : vector<16xi1>, vector<16xi32>
      %mul3A_836 = arith.constant 32 : i32
      %mul3A_837 = arith.muli %scan3A_648, %mul3A_836 : i32
      %add3A_838 = arith.constant 5120 : i32
      %add3A_839 = arith.addi %mul3A_837, %add3A_838 : i32
      %add3A_840 = arith.constant 16 : i32
      %add3A_841 = arith.addi %add3A_839, %add3A_840 : i32
      %get3A_842 = arith.constant 1 : i32
      %get3A_843 = arith.index_cast %get3A_842 : i32 to index
      %get3A_844 = arith.index_cast %add3A_841 : i32 to index
      %get3A_845 = tpu.vector_load %arg5[%get3A_843, %get3A_844] {strides = array<i32>} : memref<4x8192xf32, #tpu.memory_space<vmem>>, vector<16xf32>,
      %gt3A_846 = arith.cmpf ogt, %get3A_845, %select_n3A_742 : vector<16xf32>
      %select_n3A_847 = arith.select %gt3A_846, %get3A_845, %select_n3A_742 : vector<16xi1>, vector<16xf32>
      %select_n3A_848 = arith.select %gt3A_846, %add3A_770, %select_n3A_743 : vector<16xi1>, vector<16xi32>
      %mul3A_849 = arith.constant 32 : i32
      %mul3A_850 = arith.muli %scan3A_648, %mul3A_849 : i32
      %add3A_851 = arith.constant 6144 : i32
      %add3A_852 = arith.addi %mul3A_850, %add3A_851 : i32
      %add3A_853 = arith.constant 16 : i32
      %add3A_854 = arith.addi %add3A_852, %add3A_853 : i32
      %get3A_855 = arith.constant 1 : i32
      %get3A_856 = arith.index_cast %get3A_855 : i32 to index
      %get3A_857 = arith.index_cast %add3A_854 : i32 to index
      %get3A_858 = tpu.vector_load %arg5[%get3A_856, %get3A_857] {strides = array<i32>} : memref<4x8192xf32, #tpu.memory_space<vmem>>, vector<16xf32>,
      %gt3A_859 = arith.cmpf ogt, %get3A_858, %select_n3A_755 : vector<16xf32>
      %select_n3A_860 = arith.select %gt3A_859, %get3A_858, %select_n3A_755 : vector<16xi1>, vector<16xf32>
      %select_n3A_861 = arith.select %gt3A_859, %add3A_770, %select_n3A_756 : vector<16xi1>, vector<16xi32>
      %mul3A_862 = arith.constant 32 : i32
      %mul3A_863 = arith.muli %scan3A_648, %mul3A_862 : i32
      %add3A_864 = arith.constant 7168 : i32
      %add3A_865 = arith.addi %mul3A_863, %add3A_864 : i32
      %add3A_866 = arith.constant 16 : i32
      %add3A_867 = arith.addi %add3A_865, %add3A_866 : i32
      %get3A_868 = arith.constant 1 : i32
      %get3A_869 = arith.index_cast %get3A_868 : i32 to index
      %get3A_870 = arith.index_cast %add3A_867 : i32 to index
      %get3A_871 = tpu.vector_load %arg5[%get3A_869, %get3A_870] {strides = array<i32>} : memref<4x8192xf32, #tpu.memory_space<vmem>>, vector<16xf32>,
      %gt3A_872 = arith.cmpf ogt, %get3A_871, %select_n3A_768 : vector<16xf32>
      %select_n3A_873 = arith.select %gt3A_872, %get3A_871, %select_n3A_768 : vector<16xi1>, vector<16xf32>
      %select_n3A_874 = arith.select %gt3A_872, %add3A_770, %select_n3A_769 : vector<16xi1>, vector<16xi32>
      %add3A_875 = arith.addi %add3A_770, %broadcast_in_dim3A_48 : vector<16xi32>
      scf.yield %select_n3A_782, %select_n3A_795, %select_n3A_808, %select_n3A_821, %select_n3A_834, %select_n3A_847, %select_n3A_860, %select_n3A_873, %select_n3A_783, %select_n3A_796, %select_n3A_809, %select_n3A_822, %select_n3A_835, %select_n3A_848, %select_n3A_861, %select_n3A_874, %add3A_875 : vector<16xf32>, vector<16xf32>, vector<16xf32>, vector<16xf32>, vector<16xf32>, vector<16xf32>, vector<16xf32>, vector<16xf32>, vector<16xi32>, vector<16xi32>, vector<16xi32>, vector<16xi32>, vector<16xi32>, vector<16xi32>, vector<16xi32>, vector<16xi32>, vector<16xi32>
    }
    %scan3A_173 = arith.constant 32 : i32
    %mul3A_174 = arith.constant 16 : i32
    %mul3A_175 = vector.broadcast %mul3A_174 : i32 to vector<16xi32>
    %mul3A_176 = arith.muli %scan3A_172#8, %mul3A_175 : vector<16xi32>
    %add3A_177 = arith.addi %mul3A_176, %iota3A : vector<16xi32>
    %mul3A_178 = arith.constant 16 : i32
    %mul3A_179 = vector.broadcast %mul3A_178 : i32 to vector<16xi32>
    %mul3A_180 = arith.muli %scan3A_172#9, %mul3A_179 : vector<16xi32>
    %add3A_181 = arith.constant 1024 : i32
    %add3A_182 = vector.broadcast %add3A_181 : i32 to vector<16xi32>
    %add3A_183 = arith.addi %mul3A_180, %add3A_182 : vector<16xi32>
    %add3A_184 = arith.addi %add3A_183, %iota3A : vector<16xi32>
    %gt3A_185 = arith.cmpf ogt, %scan3A_172#1, %scan3A_172#0 : vector<16xf32>
    %select_n3A_186 = arith.select %gt3A_185, %scan3A_172#1, %scan3A_172#0 : vector<16xi1>, vector<16xf32>
    %select_n3A_187 = arith.select %gt3A_185, %add3A_184, %add3A_177 : vector<16xi1>, vector<16xi32>
    %mul3A_188 = arith.constant 16 : i32
    %mul3A_189 = vector.broadcast %mul3A_188 : i32 to vector<16xi32>
    %mul3A_190 = arith.muli %scan3A_172#10, %mul3A_189 : vector<16xi32>
    %add3A_191 = arith.constant 2048 : i32
    %add3A_192 = vector.broadcast %add3A_191 : i32 to vector<16xi32>
    %add3A_193 = arith.addi %mul3A_190, %add3A_192 : vector<16xi32>
    %add3A_194 = arith.addi %add3A_193, %iota3A : vector<16xi32>
    %gt3A_195 = arith.cmpf ogt, %scan3A_172#2, %select_n3A_186 : vector<16xf32>
    %select_n3A_196 = arith.select %gt3A_195, %scan3A_172#2, %select_n3A_186 : vector<16xi1>, vector<16xf32>
    %select_n3A_197 = arith.select %gt3A_195, %add3A_194, %select_n3A_187 : vector<16xi1>, vector<16xi32>
    %mul3A_198 = arith.constant 16 : i32
    %mul3A_199 = vector.broadcast %mul3A_198 : i32 to vector<16xi32>
    %mul3A_200 = arith.muli %scan3A_172#11, %mul3A_199 : vector<16xi32>
    %add3A_201 = arith.constant 3072 : i32
    %add3A_202 = vector.broadcast %add3A_201 : i32 to vector<16xi32>
    %add3A_203 = arith.addi %mul3A_200, %add3A_202 : vector<16xi32>
    %add3A_204 = arith.addi %add3A_203, %iota3A : vector<16xi32>
    %gt3A_205 = arith.cmpf ogt, %scan3A_172#3, %select_n3A_196 : vector<16xf32>
    %select_n3A_206 = arith.select %gt3A_205, %scan3A_172#3, %select_n3A_196 : vector<16xi1>, vector<16xf32>
    %select_n3A_207 = arith.select %gt3A_205, %add3A_204, %select_n3A_197 : vector<16xi1>, vector<16xi32>
    %mul3A_208 = arith.constant 16 : i32
    %mul3A_209 = vector.broadcast %mul3A_208 : i32 to vector<16xi32>
    %mul3A_210 = arith.muli %scan3A_172#12, %mul3A_209 : vector<16xi32>
    %add3A_211 = arith.constant 4096 : i32
    %add3A_212 = vector.broadcast %add3A_211 : i32 to vector<16xi32>
    %add3A_213 = arith.addi %mul3A_210, %add3A_212 : vector<16xi32>
    %add3A_214 = arith.addi %add3A_213, %iota3A : vector<16xi32>
    %gt3A_215 = arith.cmpf ogt, %scan3A_172#4, %select_n3A_206 : vector<16xf32>
    %select_n3A_216 = arith.select %gt3A_215, %scan3A_172#4, %select_n3A_206 : vector<16xi1>, vector<16xf32>
    %select_n3A_217 = arith.select %gt3A_215, %add3A_214, %select_n3A_207 : vector<16xi1>, vector<16xi32>
    %mul3A_218 = arith.constant 16 : i32
    %mul3A_219 = vector.broadcast %mul3A_218 : i32 to vector<16xi32>
    %mul3A_220 = arith.muli %scan3A_172#13, %mul3A_219 : vector<16xi32>
    %add3A_221 = arith.constant 5120 : i32
    %add3A_222 = vector.broadcast %add3A_221 : i32 to vector<16xi32>
    %add3A_223 = arith.addi %mul3A_220, %add3A_222 : vector<16xi32>
    %add3A_224 = arith.addi %add3A_223, %iota3A : vector<16xi32>
    %gt3A_225 = arith.cmpf ogt, %scan3A_172#5, %select_n3A_216 : vector<16xf32>
    %select_n3A_226 = arith.select %gt3A_225, %scan3A_172#5, %select_n3A_216 : vector<16xi1>, vector<16xf32>
    %select_n3A_227 = arith.select %gt3A_225, %add3A_224, %select_n3A_217 : vector<16xi1>, vector<16xi32>
    %mul3A_228 = arith.constant 16 : i32
    %mul3A_229 = vector.broadcast %mul3A_228 : i32 to vector<16xi32>
    %mul3A_230 = arith.muli %scan3A_172#14, %mul3A_229 : vector<16xi32>
    %add3A_231 = arith.constant 6144 : i32
    %add3A_232 = vector.broadcast %add3A_231 : i32 to vector<16xi32>
    %add3A_233 = arith.addi %mul3A_230, %add3A_232 : vector<16xi32>
    %add3A_234 = arith.addi %add3A_233, %iota3A : vector<16xi32>
    %gt3A_235 = arith.cmpf ogt, %scan3A_172#6, %select_n3A_226 : vector<16xf32>
    %select_n3A_236 = arith.select %gt3A_235, %scan3A_172#6, %select_n3A_226 : vector<16xi1>, vector<16xf32>
    %select_n3A_237 = arith.select %gt3A_235, %add3A_234, %select_n3A_227 : vector<16xi1>, vector<16xi32>
    %mul3A_238 = arith.constant 16 : i32
    %mul3A_239 = vector.broadcast %mul3A_238 : i32 to vector<16xi32>
    %mul3A_240 = arith.muli %scan3A_172#15, %mul3A_239 : vector<16xi32>
    %add3A_241 = arith.constant 7168 : i32
    %add3A_242 = vector.broadcast %add3A_241 : i32 to vector<16xi32>
    %add3A_243 = arith.addi %mul3A_240, %add3A_242 : vector<16xi32>
    %add3A_244 = arith.addi %add3A_243, %iota3A : vector<16xi32>
    %gt3A_245 = arith.cmpf ogt, %scan3A_172#7, %select_n3A_236 : vector<16xf32>
    %select_n3A_246 = arith.select %gt3A_245, %scan3A_172#7, %select_n3A_236 : vector<16xi1>, vector<16xf32>
    %select_n3A_247 = arith.select %gt3A_245, %add3A_244, %select_n3A_237 : vector<16xi1>, vector<16xi32>
    %reduce_max3A_248 = arith.constant true
    %reduce_max3A_249 = vector.broadcast %reduce_max3A_248 : i1 to vector<16xi1>
    %reduce_max3A_250 = tpu.scan <max>, %select_n3A_246 masked %reduce_max3A_249 : vector<16xf32>, vector<16xi1> -> vector<16xf32>
    %reduce_max3A_251 = vector.extract %reduce_max3A_250[15] : f32 from vector<16xf32>
    %eq3A_252 = vector.broadcast %reduce_max3A_251 : f32 to vector<16xf32>
    %eq3A_253 = arith.cmpf oeq, %select_n3A_246, %eq3A_252 : vector<16xf32>
    %jit3A_254 = arith.constant 1073741824 : i32
    %broadcast_in_dim3A_255 = vector.broadcast %jit3A_254 : i32 to vector<16xi32>
    %select_n3A_256 = arith.select %eq3A_253, %select_n3A_247, %broadcast_in_dim3A_255 : vector<16xi1>, vector<16xi32>
    %reduce_min3A_257 = arith.constant true
    %reduce_min3A_258 = vector.broadcast %reduce_min3A_257 : i1 to vector<16xi1>
    %reduce_min3A_259 = arith.constant -2147483648 : i32
    %reduce_min3A_260 = vector.broadcast %reduce_min3A_259 : i32 to vector<16xi32>
    %reduce_min3A_261 = arith.xori %select_n3A_256, %reduce_min3A_260 : vector<16xi32>
    %reduce_min3A_262 = tpu.scan <min>, %reduce_min3A_261 masked %reduce_min3A_258 : vector<16xi32>, vector<16xi1> -> vector<16xi32>
    %reduce_min3A_263 = arith.xori %reduce_min3A_262, %reduce_min3A_260 : vector<16xi32>
    %reduce_min3A_264 = vector.extract %reduce_min3A_263[15] : i32 from vector<16xi32>
    %and3A_265 = arith.constant -128 : i32
    %and3A_266 = arith.andi %reduce_min3A_264, %and3A_265 : i32
    %multiple_of3A_267 = tpu.assume_multiple %and3A_266, 128 : i32
    %dma_start3A_268 = arith.constant 1 : i32
    %dma_start3A_269 = arith.constant 0 : i32
    %dma_start3A_270 = arith.constant 0 : i32
    %dma_start3A_271 = tpu.memref_slice %arg6[%dma_start3A_268, %dma_start3A_269, %dma_start3A_270] : memref<4x8x128xf32, #tpu.memory_space<vmem>> -> memref<1x8x128xf32, #tpu.memory_space<vmem>>
    %dma_start3A_272 = tpu.memref_squeeze %dma_start3A_271 : memref<1x8x128xf32, #tpu.memory_space<vmem>> -> memref<8x128xf32, #tpu.memory_space<vmem>>
    %dma_start3A_273 = tpu.memref_slice %arg3[%multiple_of3A, %multiple_of3A_267] : memref<128x8192xf32, #tpu.memory_space<hbm>> -> memref<8x128xf32, #tpu.memory_space<hbm>>
    %dma_start3A_274 = arith.constant 0 : i32
    %dma_start3A_275 = arith.constant 0 : i32
    %dma_start3A_276 = tpu.memref_slice %arg6[%dma_start3A_268, %dma_start3A_274, %dma_start3A_275] : memref<4x8x128xf32, #tpu.memory_space<vmem>> -> memref<1x8x128xf32, #tpu.memory_space<vmem>>
    %dma_start3A_277 = tpu.memref_squeeze %dma_start3A_276 : memref<1x8x128xf32, #tpu.memory_space<vmem>> -> memref<8x128xf32, #tpu.memory_space<vmem>>
    %dma_start3A_278 = tpu.memref_slice %arg3[%multiple_of3A, %multiple_of3A_267] : memref<128x8192xf32, #tpu.memory_space<hbm>> -> memref<8x128xf32, #tpu.memory_space<hbm>>
    tpu.enqueue_dma source(%dma_start3A_278 : memref<8x128xf32, #tpu.memory_space<hbm>>) target(%dma_start3A_277 : memref<8x128xf32, #tpu.memory_space<vmem>>) target_semaphore(%arg8 : memref<!tpu.dma_semaphore, #tpu.memory_space<semaphore_mem>>)
    %dma_wait3A = arith.constant 2 : i32
    %dma_wait3A_279 = arith.constant 0 : i32
    %dma_wait3A_280 = tpu.memref_slice %arg5[%dma_wait3A, %dma_wait3A_279] : memref<4x8192xf32, #tpu.memory_space<vmem>> -> memref<2x8192xf32, #tpu.memory_space<vmem>>
    %dma_wait3A_281 = arith.constant 0 : i32
    %dma_wait3A_282 = tpu.memref_slice %arg2[%add3A_38, %dma_wait3A_281] : memref<128x8192xf32, #tpu.memory_space<hbm>> -> memref<2x8192xf32, #tpu.memory_space<hbm>>
    %dma_wait3A_283 = arith.constant 2 : i32
    %dma_wait3A_284 = arith.constant 0 : i32
    %dma_wait3A_285 = tpu.memref_slice %arg5[%dma_wait3A_283, %dma_wait3A_284] : memref<4x8192xf32, #tpu.memory_space<vmem>> -> memref<2x8192xf32, #tpu.memory_space<vmem>>
    %dma_wait3A_286 = arith.constant 0 : i32
    %dma_wait3A_287 = tpu.memref_slice %arg2[%add3A_38, %dma_wait3A_286] : memref<128x8192xf32, #tpu.memory_space<hbm>> -> memref<2x8192xf32, #tpu.memory_space<hbm>>
    tpu.wait_dma2 semaphore(%arg9 : memref<!tpu.dma_semaphore, #tpu.memory_space<semaphore_mem>>) src(%dma_wait3A_287 : memref<2x8192xf32, #tpu.memory_space<hbm>>) dst(%dma_wait3A_285 : memref<2x8192xf32, #tpu.memory_space<vmem>>)
    %broadcast_in_dim3A_288 = arith.constant 0xFF800000 : f32
    %broadcast_in_dim3A_289 = vector.broadcast %broadcast_in_dim3A_288 : f32 to vector<16xf32>
    %broadcast_in_dim3A_290 = arith.constant 0 : i32
    %broadcast_in_dim3A_291 = vector.broadcast %broadcast_in_dim3A_290 : i32 to vector<16xi32>
    %broadcast_in_dim3A_292 = arith.constant 0 : i32
    %broadcast_in_dim3A_293 = vector.broadcast %broadcast_in_dim3A_292 : i32 to vector<16xi32>
    %scan3A_294 = arith.constant 0 : i32
    %scan3A_295 = arith.constant 32 : i32
    %scan3A_296 = arith.addi %scan3A_294, %scan3A_295 : i32
    %scan3A_297 = arith.constant 1 : i32
    %scan3A_298:17 = scf.for %scan3A_648 = %scan3A_294 to %scan3A_296 step %scan3A_297 iter_args(%scan3A_649 = %broadcast_in_dim3A_289, %scan3A_650 = %broadcast_in_dim3A_289, %scan3A_651 = %broadcast_in_dim3A_289, %scan3A_652 = %broadcast_in_dim3A_289, %scan3A_653 = %broadcast_in_dim3A_289, %scan3A_654 = %broadcast_in_dim3A_289, %scan3A_655 = %broadcast_in_dim3A_289, %scan3A_656 = %broadcast_in_dim3A_289, %scan3A_657 = %broadcast_in_dim3A_291, %scan3A_658 = %broadcast_in_dim3A_291, %scan3A_659 = %broadcast_in_dim3A_291, %scan3A_660 = %broadcast_in_dim3A_291, %scan3A_661 = %broadcast_in_dim3A_291, %scan3A_662 = %broadcast_in_dim3A_291, %scan3A_663 = %broadcast_in_dim3A_291, %scan3A_664 = %broadcast_in_dim3A_291, %scan3A_665 = %broadcast_in_dim3A_293) -> (vector<16xf32>, vector<16xf32>, vector<16xf32>, vector<16xf32>, vector<16xf32>, vector<16xf32>, vector<16xf32>, vector<16xf32>, vector<16xi32>, vector<16xi32>, vector<16xi32>, vector<16xi32>, vector<16xi32>, vector<16xi32>, vector<16xi32>, vector<16xi32>, vector<16xi32>)  : i32 {
      %mul3A_666 = arith.constant 32 : i32
      %mul3A_667 = arith.muli %scan3A_648, %mul3A_666 : i32
      %add3A_668 = arith.constant 0 : i32
      %add3A_669 = arith.addi %mul3A_667, %add3A_668 : i32
      %add3A_670 = arith.constant 0 : i32
      %add3A_671 = arith.addi %add3A_669, %add3A_670 : i32
      %get3A_672 = arith.constant 2 : i32
      %get3A_673 = arith.index_cast %get3A_672 : i32 to index
      %get3A_674 = arith.index_cast %add3A_671 : i32 to index
      %get3A_675 = tpu.vector_load %arg5[%get3A_673, %get3A_674] {strides = array<i32>} : memref<4x8192xf32, #tpu.memory_space<vmem>>, vector<16xf32>,
      %gt3A_676 = arith.cmpf ogt, %get3A_675, %scan3A_649 : vector<16xf32>
      %select_n3A_677 = arith.select %gt3A_676, %get3A_675, %scan3A_649 : vector<16xi1>, vector<16xf32>
      %select_n3A_678 = arith.select %gt3A_676, %scan3A_665, %scan3A_657 : vector<16xi1>, vector<16xi32>
      %mul3A_679 = arith.constant 32 : i32
      %mul3A_680 = arith.muli %scan3A_648, %mul3A_679 : i32
      %add3A_681 = arith.constant 1024 : i32
      %add3A_682 = arith.addi %mul3A_680, %add3A_681 : i32
      %add3A_683 = arith.constant 0 : i32
      %add3A_684 = arith.addi %add3A_682, %add3A_683 : i32
      %get3A_685 = arith.constant 2 : i32
      %get3A_686 = arith.index_cast %get3A_685 : i32 to index
      %get3A_687 = arith.index_cast %add3A_684 : i32 to index
      %get3A_688 = tpu.vector_load %arg5[%get3A_686, %get3A_687] {strides = array<i32>} : memref<4x8192xf32, #tpu.memory_space<vmem>>, vector<16xf32>,
      %gt3A_689 = arith.cmpf ogt, %get3A_688, %scan3A_650 : vector<16xf32>
      %select_n3A_690 = arith.select %gt3A_689, %get3A_688, %scan3A_650 : vector<16xi1>, vector<16xf32>
      %select_n3A_691 = arith.select %gt3A_689, %scan3A_665, %scan3A_658 : vector<16xi1>, vector<16xi32>
      %mul3A_692 = arith.constant 32 : i32
      %mul3A_693 = arith.muli %scan3A_648, %mul3A_692 : i32
      %add3A_694 = arith.constant 2048 : i32
      %add3A_695 = arith.addi %mul3A_693, %add3A_694 : i32
      %add3A_696 = arith.constant 0 : i32
      %add3A_697 = arith.addi %add3A_695, %add3A_696 : i32
      %get3A_698 = arith.constant 2 : i32
      %get3A_699 = arith.index_cast %get3A_698 : i32 to index
      %get3A_700 = arith.index_cast %add3A_697 : i32 to index
      %get3A_701 = tpu.vector_load %arg5[%get3A_699, %get3A_700] {strides = array<i32>} : memref<4x8192xf32, #tpu.memory_space<vmem>>, vector<16xf32>,
      %gt3A_702 = arith.cmpf ogt, %get3A_701, %scan3A_651 : vector<16xf32>
      %select_n3A_703 = arith.select %gt3A_702, %get3A_701, %scan3A_651 : vector<16xi1>, vector<16xf32>
      %select_n3A_704 = arith.select %gt3A_702, %scan3A_665, %scan3A_659 : vector<16xi1>, vector<16xi32>
      %mul3A_705 = arith.constant 32 : i32
      %mul3A_706 = arith.muli %scan3A_648, %mul3A_705 : i32
      %add3A_707 = arith.constant 3072 : i32
      %add3A_708 = arith.addi %mul3A_706, %add3A_707 : i32
      %add3A_709 = arith.constant 0 : i32
      %add3A_710 = arith.addi %add3A_708, %add3A_709 : i32
      %get3A_711 = arith.constant 2 : i32
      %get3A_712 = arith.index_cast %get3A_711 : i32 to index
      %get3A_713 = arith.index_cast %add3A_710 : i32 to index
      %get3A_714 = tpu.vector_load %arg5[%get3A_712, %get3A_713] {strides = array<i32>} : memref<4x8192xf32, #tpu.memory_space<vmem>>, vector<16xf32>,
      %gt3A_715 = arith.cmpf ogt, %get3A_714, %scan3A_652 : vector<16xf32>
      %select_n3A_716 = arith.select %gt3A_715, %get3A_714, %scan3A_652 : vector<16xi1>, vector<16xf32>
      %select_n3A_717 = arith.select %gt3A_715, %scan3A_665, %scan3A_660 : vector<16xi1>, vector<16xi32>
      %mul3A_718 = arith.constant 32 : i32
      %mul3A_719 = arith.muli %scan3A_648, %mul3A_718 : i32
      %add3A_720 = arith.constant 4096 : i32
      %add3A_721 = arith.addi %mul3A_719, %add3A_720 : i32
      %add3A_722 = arith.constant 0 : i32
      %add3A_723 = arith.addi %add3A_721, %add3A_722 : i32
      %get3A_724 = arith.constant 2 : i32
      %get3A_725 = arith.index_cast %get3A_724 : i32 to index
      %get3A_726 = arith.index_cast %add3A_723 : i32 to index
      %get3A_727 = tpu.vector_load %arg5[%get3A_725, %get3A_726] {strides = array<i32>} : memref<4x8192xf32, #tpu.memory_space<vmem>>, vector<16xf32>,
      %gt3A_728 = arith.cmpf ogt, %get3A_727, %scan3A_653 : vector<16xf32>
      %select_n3A_729 = arith.select %gt3A_728, %get3A_727, %scan3A_653 : vector<16xi1>, vector<16xf32>
      %select_n3A_730 = arith.select %gt3A_728, %scan3A_665, %scan3A_661 : vector<16xi1>, vector<16xi32>
      %mul3A_731 = arith.constant 32 : i32
      %mul3A_732 = arith.muli %scan3A_648, %mul3A_731 : i32
      %add3A_733 = arith.constant 5120 : i32
      %add3A_734 = arith.addi %mul3A_732, %add3A_733 : i32
      %add3A_735 = arith.constant 0 : i32
      %add3A_736 = arith.addi %add3A_734, %add3A_735 : i32
      %get3A_737 = arith.constant 2 : i32
      %get3A_738 = arith.index_cast %get3A_737 : i32 to index
      %get3A_739 = arith.index_cast %add3A_736 : i32 to index
      %get3A_740 = tpu.vector_load %arg5[%get3A_738, %get3A_739] {strides = array<i32>} : memref<4x8192xf32, #tpu.memory_space<vmem>>, vector<16xf32>,
      %gt3A_741 = arith.cmpf ogt, %get3A_740, %scan3A_654 : vector<16xf32>
      %select_n3A_742 = arith.select %gt3A_741, %get3A_740, %scan3A_654 : vector<16xi1>, vector<16xf32>
      %select_n3A_743 = arith.select %gt3A_741, %scan3A_665, %scan3A_662 : vector<16xi1>, vector<16xi32>
      %mul3A_744 = arith.constant 32 : i32
      %mul3A_745 = arith.muli %scan3A_648, %mul3A_744 : i32
      %add3A_746 = arith.constant 6144 : i32
      %add3A_747 = arith.addi %mul3A_745, %add3A_746 : i32
      %add3A_748 = arith.constant 0 : i32
      %add3A_749 = arith.addi %add3A_747, %add3A_748 : i32
      %get3A_750 = arith.constant 2 : i32
      %get3A_751 = arith.index_cast %get3A_750 : i32 to index
      %get3A_752 = arith.index_cast %add3A_749 : i32 to index
      %get3A_753 = tpu.vector_load %arg5[%get3A_751, %get3A_752] {strides = array<i32>} : memref<4x8192xf32, #tpu.memory_space<vmem>>, vector<16xf32>,
      %gt3A_754 = arith.cmpf ogt, %get3A_753, %scan3A_655 : vector<16xf32>
      %select_n3A_755 = arith.select %gt3A_754, %get3A_753, %scan3A_655 : vector<16xi1>, vector<16xf32>
      %select_n3A_756 = arith.select %gt3A_754, %scan3A_665, %scan3A_663 : vector<16xi1>, vector<16xi32>
      %mul3A_757 = arith.constant 32 : i32
      %mul3A_758 = arith.muli %scan3A_648, %mul3A_757 : i32
      %add3A_759 = arith.constant 7168 : i32
      %add3A_760 = arith.addi %mul3A_758, %add3A_759 : i32
      %add3A_761 = arith.constant 0 : i32
      %add3A_762 = arith.addi %add3A_760, %add3A_761 : i32
      %get3A_763 = arith.constant 2 : i32
      %get3A_764 = arith.index_cast %get3A_763 : i32 to index
      %get3A_765 = arith.index_cast %add3A_762 : i32 to index
      %get3A_766 = tpu.vector_load %arg5[%get3A_764, %get3A_765] {strides = array<i32>} : memref<4x8192xf32, #tpu.memory_space<vmem>>, vector<16xf32>,
      %gt3A_767 = arith.cmpf ogt, %get3A_766, %scan3A_656 : vector<16xf32>
      %select_n3A_768 = arith.select %gt3A_767, %get3A_766, %scan3A_656 : vector<16xi1>, vector<16xf32>
      %select_n3A_769 = arith.select %gt3A_767, %scan3A_665, %scan3A_664 : vector<16xi1>, vector<16xi32>
      %add3A_770 = arith.addi %scan3A_665, %broadcast_in_dim3A_48 : vector<16xi32>
      %mul3A_771 = arith.constant 32 : i32
      %mul3A_772 = arith.muli %scan3A_648, %mul3A_771 : i32
      %add3A_773 = arith.constant 0 : i32
      %add3A_774 = arith.addi %mul3A_772, %add3A_773 : i32
      %add3A_775 = arith.constant 16 : i32
      %add3A_776 = arith.addi %add3A_774, %add3A_775 : i32
      %get3A_777 = arith.constant 2 : i32
      %get3A_778 = arith.index_cast %get3A_777 : i32 to index
      %get3A_779 = arith.index_cast %add3A_776 : i32 to index
      %get3A_780 = tpu.vector_load %arg5[%get3A_778, %get3A_779] {strides = array<i32>} : memref<4x8192xf32, #tpu.memory_space<vmem>>, vector<16xf32>,
      %gt3A_781 = arith.cmpf ogt, %get3A_780, %select_n3A_677 : vector<16xf32>
      %select_n3A_782 = arith.select %gt3A_781, %get3A_780, %select_n3A_677 : vector<16xi1>, vector<16xf32>
      %select_n3A_783 = arith.select %gt3A_781, %add3A_770, %select_n3A_678 : vector<16xi1>, vector<16xi32>
      %mul3A_784 = arith.constant 32 : i32
      %mul3A_785 = arith.muli %scan3A_648, %mul3A_784 : i32
      %add3A_786 = arith.constant 1024 : i32
      %add3A_787 = arith.addi %mul3A_785, %add3A_786 : i32
      %add3A_788 = arith.constant 16 : i32
      %add3A_789 = arith.addi %add3A_787, %add3A_788 : i32
      %get3A_790 = arith.constant 2 : i32
      %get3A_791 = arith.index_cast %get3A_790 : i32 to index
      %get3A_792 = arith.index_cast %add3A_789 : i32 to index
      %get3A_793 = tpu.vector_load %arg5[%get3A_791, %get3A_792] {strides = array<i32>} : memref<4x8192xf32, #tpu.memory_space<vmem>>, vector<16xf32>,
      %gt3A_794 = arith.cmpf ogt, %get3A_793, %select_n3A_690 : vector<16xf32>
      %select_n3A_795 = arith.select %gt3A_794, %get3A_793, %select_n3A_690 : vector<16xi1>, vector<16xf32>
      %select_n3A_796 = arith.select %gt3A_794, %add3A_770, %select_n3A_691 : vector<16xi1>, vector<16xi32>
      %mul3A_797 = arith.constant 32 : i32
      %mul3A_798 = arith.muli %scan3A_648, %mul3A_797 : i32
      %add3A_799 = arith.constant 2048 : i32
      %add3A_800 = arith.addi %mul3A_798, %add3A_799 : i32
      %add3A_801 = arith.constant 16 : i32
      %add3A_802 = arith.addi %add3A_800, %add3A_801 : i32
      %get3A_803 = arith.constant 2 : i32
      %get3A_804 = arith.index_cast %get3A_803 : i32 to index
      %get3A_805 = arith.index_cast %add3A_802 : i32 to index
      %get3A_806 = tpu.vector_load %arg5[%get3A_804, %get3A_805] {strides = array<i32>} : memref<4x8192xf32, #tpu.memory_space<vmem>>, vector<16xf32>,
      %gt3A_807 = arith.cmpf ogt, %get3A_806, %select_n3A_703 : vector<16xf32>
      %select_n3A_808 = arith.select %gt3A_807, %get3A_806, %select_n3A_703 : vector<16xi1>, vector<16xf32>
      %select_n3A_809 = arith.select %gt3A_807, %add3A_770, %select_n3A_704 : vector<16xi1>, vector<16xi32>
      %mul3A_810 = arith.constant 32 : i32
      %mul3A_811 = arith.muli %scan3A_648, %mul3A_810 : i32
      %add3A_812 = arith.constant 3072 : i32
      %add3A_813 = arith.addi %mul3A_811, %add3A_812 : i32
      %add3A_814 = arith.constant 16 : i32
      %add3A_815 = arith.addi %add3A_813, %add3A_814 : i32
      %get3A_816 = arith.constant 2 : i32
      %get3A_817 = arith.index_cast %get3A_816 : i32 to index
      %get3A_818 = arith.index_cast %add3A_815 : i32 to index
      %get3A_819 = tpu.vector_load %arg5[%get3A_817, %get3A_818] {strides = array<i32>} : memref<4x8192xf32, #tpu.memory_space<vmem>>, vector<16xf32>,
      %gt3A_820 = arith.cmpf ogt, %get3A_819, %select_n3A_716 : vector<16xf32>
      %select_n3A_821 = arith.select %gt3A_820, %get3A_819, %select_n3A_716 : vector<16xi1>, vector<16xf32>
      %select_n3A_822 = arith.select %gt3A_820, %add3A_770, %select_n3A_717 : vector<16xi1>, vector<16xi32>
      %mul3A_823 = arith.constant 32 : i32
      %mul3A_824 = arith.muli %scan3A_648, %mul3A_823 : i32
      %add3A_825 = arith.constant 4096 : i32
      %add3A_826 = arith.addi %mul3A_824, %add3A_825 : i32
      %add3A_827 = arith.constant 16 : i32
      %add3A_828 = arith.addi %add3A_826, %add3A_827 : i32
      %get3A_829 = arith.constant 2 : i32
      %get3A_830 = arith.index_cast %get3A_829 : i32 to index
      %get3A_831 = arith.index_cast %add3A_828 : i32 to index
      %get3A_832 = tpu.vector_load %arg5[%get3A_830, %get3A_831] {strides = array<i32>} : memref<4x8192xf32, #tpu.memory_space<vmem>>, vector<16xf32>,
      %gt3A_833 = arith.cmpf ogt, %get3A_832, %select_n3A_729 : vector<16xf32>
      %select_n3A_834 = arith.select %gt3A_833, %get3A_832, %select_n3A_729 : vector<16xi1>, vector<16xf32>
      %select_n3A_835 = arith.select %gt3A_833, %add3A_770, %select_n3A_730 : vector<16xi1>, vector<16xi32>
      %mul3A_836 = arith.constant 32 : i32
      %mul3A_837 = arith.muli %scan3A_648, %mul3A_836 : i32
      %add3A_838 = arith.constant 5120 : i32
      %add3A_839 = arith.addi %mul3A_837, %add3A_838 : i32
      %add3A_840 = arith.constant 16 : i32
      %add3A_841 = arith.addi %add3A_839, %add3A_840 : i32
      %get3A_842 = arith.constant 2 : i32
      %get3A_843 = arith.index_cast %get3A_842 : i32 to index
      %get3A_844 = arith.index_cast %add3A_841 : i32 to index
      %get3A_845 = tpu.vector_load %arg5[%get3A_843, %get3A_844] {strides = array<i32>} : memref<4x8192xf32, #tpu.memory_space<vmem>>, vector<16xf32>,
      %gt3A_846 = arith.cmpf ogt, %get3A_845, %select_n3A_742 : vector<16xf32>
      %select_n3A_847 = arith.select %gt3A_846, %get3A_845, %select_n3A_742 : vector<16xi1>, vector<16xf32>
      %select_n3A_848 = arith.select %gt3A_846, %add3A_770, %select_n3A_743 : vector<16xi1>, vector<16xi32>
      %mul3A_849 = arith.constant 32 : i32
      %mul3A_850 = arith.muli %scan3A_648, %mul3A_849 : i32
      %add3A_851 = arith.constant 6144 : i32
      %add3A_852 = arith.addi %mul3A_850, %add3A_851 : i32
      %add3A_853 = arith.constant 16 : i32
      %add3A_854 = arith.addi %add3A_852, %add3A_853 : i32
      %get3A_855 = arith.constant 2 : i32
      %get3A_856 = arith.index_cast %get3A_855 : i32 to index
      %get3A_857 = arith.index_cast %add3A_854 : i32 to index
      %get3A_858 = tpu.vector_load %arg5[%get3A_856, %get3A_857] {strides = array<i32>} : memref<4x8192xf32, #tpu.memory_space<vmem>>, vector<16xf32>,
      %gt3A_859 = arith.cmpf ogt, %get3A_858, %select_n3A_755 : vector<16xf32>
      %select_n3A_860 = arith.select %gt3A_859, %get3A_858, %select_n3A_755 : vector<16xi1>, vector<16xf32>
      %select_n3A_861 = arith.select %gt3A_859, %add3A_770, %select_n3A_756 : vector<16xi1>, vector<16xi32>
      %mul3A_862 = arith.constant 32 : i32
      %mul3A_863 = arith.muli %scan3A_648, %mul3A_862 : i32
      %add3A_864 = arith.constant 7168 : i32
      %add3A_865 = arith.addi %mul3A_863, %add3A_864 : i32
      %add3A_866 = arith.constant 16 : i32
      %add3A_867 = arith.addi %add3A_865, %add3A_866 : i32
      %get3A_868 = arith.constant 2 : i32
      %get3A_869 = arith.index_cast %get3A_868 : i32 to index
      %get3A_870 = arith.index_cast %add3A_867 : i32 to index
      %get3A_871 = tpu.vector_load %arg5[%get3A_869, %get3A_870] {strides = array<i32>} : memref<4x8192xf32, #tpu.memory_space<vmem>>, vector<16xf32>,
      %gt3A_872 = arith.cmpf ogt, %get3A_871, %select_n3A_768 : vector<16xf32>
      %select_n3A_873 = arith.select %gt3A_872, %get3A_871, %select_n3A_768 : vector<16xi1>, vector<16xf32>
      %select_n3A_874 = arith.select %gt3A_872, %add3A_770, %select_n3A_769 : vector<16xi1>, vector<16xi32>
      %add3A_875 = arith.addi %add3A_770, %broadcast_in_dim3A_48 : vector<16xi32>
      scf.yield %select_n3A_782, %select_n3A_795, %select_n3A_808, %select_n3A_821, %select_n3A_834, %select_n3A_847, %select_n3A_860, %select_n3A_873, %select_n3A_783, %select_n3A_796, %select_n3A_809, %select_n3A_822, %select_n3A_835, %select_n3A_848, %select_n3A_861, %select_n3A_874, %add3A_875 : vector<16xf32>, vector<16xf32>, vector<16xf32>, vector<16xf32>, vector<16xf32>, vector<16xf32>, vector<16xf32>, vector<16xf32>, vector<16xi32>, vector<16xi32>, vector<16xi32>, vector<16xi32>, vector<16xi32>, vector<16xi32>, vector<16xi32>, vector<16xi32>, vector<16xi32>
    }
    %scan3A_299 = arith.constant 32 : i32
    %mul3A_300 = arith.constant 16 : i32
    %mul3A_301 = vector.broadcast %mul3A_300 : i32 to vector<16xi32>
    %mul3A_302 = arith.muli %scan3A_298#8, %mul3A_301 : vector<16xi32>
    %add3A_303 = arith.addi %mul3A_302, %iota3A : vector<16xi32>
    %mul3A_304 = arith.constant 16 : i32
    %mul3A_305 = vector.broadcast %mul3A_304 : i32 to vector<16xi32>
    %mul3A_306 = arith.muli %scan3A_298#9, %mul3A_305 : vector<16xi32>
    %add3A_307 = arith.constant 1024 : i32
    %add3A_308 = vector.broadcast %add3A_307 : i32 to vector<16xi32>
    %add3A_309 = arith.addi %mul3A_306, %add3A_308 : vector<16xi32>
    %add3A_310 = arith.addi %add3A_309, %iota3A : vector<16xi32>
    %gt3A_311 = arith.cmpf ogt, %scan3A_298#1, %scan3A_298#0 : vector<16xf32>
    %select_n3A_312 = arith.select %gt3A_311, %scan3A_298#1, %scan3A_298#0 : vector<16xi1>, vector<16xf32>
    %select_n3A_313 = arith.select %gt3A_311, %add3A_310, %add3A_303 : vector<16xi1>, vector<16xi32>
    %mul3A_314 = arith.constant 16 : i32
    %mul3A_315 = vector.broadcast %mul3A_314 : i32 to vector<16xi32>
    %mul3A_316 = arith.muli %scan3A_298#10, %mul3A_315 : vector<16xi32>
    %add3A_317 = arith.constant 2048 : i32
    %add3A_318 = vector.broadcast %add3A_317 : i32 to vector<16xi32>
    %add3A_319 = arith.addi %mul3A_316, %add3A_318 : vector<16xi32>
    %add3A_320 = arith.addi %add3A_319, %iota3A : vector<16xi32>
    %gt3A_321 = arith.cmpf ogt, %scan3A_298#2, %select_n3A_312 : vector<16xf32>
    %select_n3A_322 = arith.select %gt3A_321, %scan3A_298#2, %select_n3A_312 : vector<16xi1>, vector<16xf32>
    %select_n3A_323 = arith.select %gt3A_321, %add3A_320, %select_n3A_313 : vector<16xi1>, vector<16xi32>
    %mul3A_324 = arith.constant 16 : i32
    %mul3A_325 = vector.broadcast %mul3A_324 : i32 to vector<16xi32>
    %mul3A_326 = arith.muli %scan3A_298#11, %mul3A_325 : vector<16xi32>
    %add3A_327 = arith.constant 3072 : i32
    %add3A_328 = vector.broadcast %add3A_327 : i32 to vector<16xi32>
    %add3A_329 = arith.addi %mul3A_326, %add3A_328 : vector<16xi32>
    %add3A_330 = arith.addi %add3A_329, %iota3A : vector<16xi32>
    %gt3A_331 = arith.cmpf ogt, %scan3A_298#3, %select_n3A_322 : vector<16xf32>
    %select_n3A_332 = arith.select %gt3A_331, %scan3A_298#3, %select_n3A_322 : vector<16xi1>, vector<16xf32>
    %select_n3A_333 = arith.select %gt3A_331, %add3A_330, %select_n3A_323 : vector<16xi1>, vector<16xi32>
    %mul3A_334 = arith.constant 16 : i32
    %mul3A_335 = vector.broadcast %mul3A_334 : i32 to vector<16xi32>
    %mul3A_336 = arith.muli %scan3A_298#12, %mul3A_335 : vector<16xi32>
    %add3A_337 = arith.constant 4096 : i32
    %add3A_338 = vector.broadcast %add3A_337 : i32 to vector<16xi32>
    %add3A_339 = arith.addi %mul3A_336, %add3A_338 : vector<16xi32>
    %add3A_340 = arith.addi %add3A_339, %iota3A : vector<16xi32>
    %gt3A_341 = arith.cmpf ogt, %scan3A_298#4, %select_n3A_332 : vector<16xf32>
    %select_n3A_342 = arith.select %gt3A_341, %scan3A_298#4, %select_n3A_332 : vector<16xi1>, vector<16xf32>
    %select_n3A_343 = arith.select %gt3A_341, %add3A_340, %select_n3A_333 : vector<16xi1>, vector<16xi32>
    %mul3A_344 = arith.constant 16 : i32
    %mul3A_345 = vector.broadcast %mul3A_344 : i32 to vector<16xi32>
    %mul3A_346 = arith.muli %scan3A_298#13, %mul3A_345 : vector<16xi32>
    %add3A_347 = arith.constant 5120 : i32
    %add3A_348 = vector.broadcast %add3A_347 : i32 to vector<16xi32>
    %add3A_349 = arith.addi %mul3A_346, %add3A_348 : vector<16xi32>
    %add3A_350 = arith.addi %add3A_349, %iota3A : vector<16xi32>
    %gt3A_351 = arith.cmpf ogt, %scan3A_298#5, %select_n3A_342 : vector<16xf32>
    %select_n3A_352 = arith.select %gt3A_351, %scan3A_298#5, %select_n3A_342 : vector<16xi1>, vector<16xf32>
    %select_n3A_353 = arith.select %gt3A_351, %add3A_350, %select_n3A_343 : vector<16xi1>, vector<16xi32>
    %mul3A_354 = arith.constant 16 : i32
    %mul3A_355 = vector.broadcast %mul3A_354 : i32 to vector<16xi32>
    %mul3A_356 = arith.muli %scan3A_298#14, %mul3A_355 : vector<16xi32>
    %add3A_357 = arith.constant 6144 : i32
    %add3A_358 = vector.broadcast %add3A_357 : i32 to vector<16xi32>
    %add3A_359 = arith.addi %mul3A_356, %add3A_358 : vector<16xi32>
    %add3A_360 = arith.addi %add3A_359, %iota3A : vector<16xi32>
    %gt3A_361 = arith.cmpf ogt, %scan3A_298#6, %select_n3A_352 : vector<16xf32>
    %select_n3A_362 = arith.select %gt3A_361, %scan3A_298#6, %select_n3A_352 : vector<16xi1>, vector<16xf32>
    %select_n3A_363 = arith.select %gt3A_361, %add3A_360, %select_n3A_353 : vector<16xi1>, vector<16xi32>
    %mul3A_364 = arith.constant 16 : i32
    %mul3A_365 = vector.broadcast %mul3A_364 : i32 to vector<16xi32>
    %mul3A_366 = arith.muli %scan3A_298#15, %mul3A_365 : vector<16xi32>
    %add3A_367 = arith.constant 7168 : i32
    %add3A_368 = vector.broadcast %add3A_367 : i32 to vector<16xi32>
    %add3A_369 = arith.addi %mul3A_366, %add3A_368 : vector<16xi32>
    %add3A_370 = arith.addi %add3A_369, %iota3A : vector<16xi32>
    %gt3A_371 = arith.cmpf ogt, %scan3A_298#7, %select_n3A_362 : vector<16xf32>
    %select_n3A_372 = arith.select %gt3A_371, %scan3A_298#7, %select_n3A_362 : vector<16xi1>, vector<16xf32>
    %select_n3A_373 = arith.select %gt3A_371, %add3A_370, %select_n3A_363 : vector<16xi1>, vector<16xi32>
    %reduce_max3A_374 = arith.constant true
    %reduce_max3A_375 = vector.broadcast %reduce_max3A_374 : i1 to vector<16xi1>
    %reduce_max3A_376 = tpu.scan <max>, %select_n3A_372 masked %reduce_max3A_375 : vector<16xf32>, vector<16xi1> -> vector<16xf32>
    %reduce_max3A_377 = vector.extract %reduce_max3A_376[15] : f32 from vector<16xf32>
    %eq3A_378 = vector.broadcast %reduce_max3A_377 : f32 to vector<16xf32>
    %eq3A_379 = arith.cmpf oeq, %select_n3A_372, %eq3A_378 : vector<16xf32>
    %jit3A_380 = arith.constant 1073741824 : i32
    %broadcast_in_dim3A_381 = vector.broadcast %jit3A_380 : i32 to vector<16xi32>
    %select_n3A_382 = arith.select %eq3A_379, %select_n3A_373, %broadcast_in_dim3A_381 : vector<16xi1>, vector<16xi32>
    %reduce_min3A_383 = arith.constant true
    %reduce_min3A_384 = vector.broadcast %reduce_min3A_383 : i1 to vector<16xi1>
    %reduce_min3A_385 = arith.constant -2147483648 : i32
    %reduce_min3A_386 = vector.broadcast %reduce_min3A_385 : i32 to vector<16xi32>
    %reduce_min3A_387 = arith.xori %select_n3A_382, %reduce_min3A_386 : vector<16xi32>
    %reduce_min3A_388 = tpu.scan <min>, %reduce_min3A_387 masked %reduce_min3A_384 : vector<16xi32>, vector<16xi1> -> vector<16xi32>
    %reduce_min3A_389 = arith.xori %reduce_min3A_388, %reduce_min3A_386 : vector<16xi32>
    %reduce_min3A_390 = vector.extract %reduce_min3A_389[15] : i32 from vector<16xi32>
    %and3A_391 = arith.constant -128 : i32
    %and3A_392 = arith.andi %reduce_min3A_390, %and3A_391 : i32
    %multiple_of3A_393 = tpu.assume_multiple %and3A_392, 128 : i32
    %dma_start3A_394 = arith.constant 2 : i32
    %dma_start3A_395 = arith.constant 0 : i32
    %dma_start3A_396 = arith.constant 0 : i32
    %dma_start3A_397 = tpu.memref_slice %arg6[%dma_start3A_394, %dma_start3A_395, %dma_start3A_396] : memref<4x8x128xf32, #tpu.memory_space<vmem>> -> memref<1x8x128xf32, #tpu.memory_space<vmem>>
    %dma_start3A_398 = tpu.memref_squeeze %dma_start3A_397 : memref<1x8x128xf32, #tpu.memory_space<vmem>> -> memref<8x128xf32, #tpu.memory_space<vmem>>
    %dma_start3A_399 = tpu.memref_slice %arg3[%multiple_of3A, %multiple_of3A_393] : memref<128x8192xf32, #tpu.memory_space<hbm>> -> memref<8x128xf32, #tpu.memory_space<hbm>>
    %dma_start3A_400 = arith.constant 0 : i32
    %dma_start3A_401 = arith.constant 0 : i32
    %dma_start3A_402 = tpu.memref_slice %arg6[%dma_start3A_394, %dma_start3A_400, %dma_start3A_401] : memref<4x8x128xf32, #tpu.memory_space<vmem>> -> memref<1x8x128xf32, #tpu.memory_space<vmem>>
    %dma_start3A_403 = tpu.memref_squeeze %dma_start3A_402 : memref<1x8x128xf32, #tpu.memory_space<vmem>> -> memref<8x128xf32, #tpu.memory_space<vmem>>
    %dma_start3A_404 = tpu.memref_slice %arg3[%multiple_of3A, %multiple_of3A_393] : memref<128x8192xf32, #tpu.memory_space<hbm>> -> memref<8x128xf32, #tpu.memory_space<hbm>>
    tpu.enqueue_dma source(%dma_start3A_404 : memref<8x128xf32, #tpu.memory_space<hbm>>) target(%dma_start3A_403 : memref<8x128xf32, #tpu.memory_space<vmem>>) target_semaphore(%arg8 : memref<!tpu.dma_semaphore, #tpu.memory_space<semaphore_mem>>)
    %broadcast_in_dim3A_405 = arith.constant 0xFF800000 : f32
    %broadcast_in_dim3A_406 = vector.broadcast %broadcast_in_dim3A_405 : f32 to vector<16xf32>
    %broadcast_in_dim3A_407 = arith.constant 0 : i32
    %broadcast_in_dim3A_408 = vector.broadcast %broadcast_in_dim3A_407 : i32 to vector<16xi32>
    %broadcast_in_dim3A_409 = arith.constant 0 : i32
    %broadcast_in_dim3A_410 = vector.broadcast %broadcast_in_dim3A_409 : i32 to vector<16xi32>
    %scan3A_411 = arith.constant 0 : i32
    %scan3A_412 = arith.constant 32 : i32
    %scan3A_413 = arith.addi %scan3A_411, %scan3A_412 : i32
    %scan3A_414 = arith.constant 1 : i32
    %scan3A_415:17 = scf.for %scan3A_648 = %scan3A_411 to %scan3A_413 step %scan3A_414 iter_args(%scan3A_649 = %broadcast_in_dim3A_406, %scan3A_650 = %broadcast_in_dim3A_406, %scan3A_651 = %broadcast_in_dim3A_406, %scan3A_652 = %broadcast_in_dim3A_406, %scan3A_653 = %broadcast_in_dim3A_406, %scan3A_654 = %broadcast_in_dim3A_406, %scan3A_655 = %broadcast_in_dim3A_406, %scan3A_656 = %broadcast_in_dim3A_406, %scan3A_657 = %broadcast_in_dim3A_408, %scan3A_658 = %broadcast_in_dim3A_408, %scan3A_659 = %broadcast_in_dim3A_408, %scan3A_660 = %broadcast_in_dim3A_408, %scan3A_661 = %broadcast_in_dim3A_408, %scan3A_662 = %broadcast_in_dim3A_408, %scan3A_663 = %broadcast_in_dim3A_408, %scan3A_664 = %broadcast_in_dim3A_408, %scan3A_665 = %broadcast_in_dim3A_410) -> (vector<16xf32>, vector<16xf32>, vector<16xf32>, vector<16xf32>, vector<16xf32>, vector<16xf32>, vector<16xf32>, vector<16xf32>, vector<16xi32>, vector<16xi32>, vector<16xi32>, vector<16xi32>, vector<16xi32>, vector<16xi32>, vector<16xi32>, vector<16xi32>, vector<16xi32>)  : i32 {
      %mul3A_666 = arith.constant 32 : i32
      %mul3A_667 = arith.muli %scan3A_648, %mul3A_666 : i32
      %add3A_668 = arith.constant 0 : i32
      %add3A_669 = arith.addi %mul3A_667, %add3A_668 : i32
      %add3A_670 = arith.constant 0 : i32
      %add3A_671 = arith.addi %add3A_669, %add3A_670 : i32
      %get3A_672 = arith.constant 3 : i32
      %get3A_673 = arith.index_cast %get3A_672 : i32 to index
      %get3A_674 = arith.index_cast %add3A_671 : i32 to index
      %get3A_675 = tpu.vector_load %arg5[%get3A_673, %get3A_674] {strides = array<i32>} : memref<4x8192xf32, #tpu.memory_space<vmem>>, vector<16xf32>,
      %gt3A_676 = arith.cmpf ogt, %get3A_675, %scan3A_649 : vector<16xf32>
      %select_n3A_677 = arith.select %gt3A_676, %get3A_675, %scan3A_649 : vector<16xi1>, vector<16xf32>
      %select_n3A_678 = arith.select %gt3A_676, %scan3A_665, %scan3A_657 : vector<16xi1>, vector<16xi32>
      %mul3A_679 = arith.constant 32 : i32
      %mul3A_680 = arith.muli %scan3A_648, %mul3A_679 : i32
      %add3A_681 = arith.constant 1024 : i32
      %add3A_682 = arith.addi %mul3A_680, %add3A_681 : i32
      %add3A_683 = arith.constant 0 : i32
      %add3A_684 = arith.addi %add3A_682, %add3A_683 : i32
      %get3A_685 = arith.constant 3 : i32
      %get3A_686 = arith.index_cast %get3A_685 : i32 to index
      %get3A_687 = arith.index_cast %add3A_684 : i32 to index
      %get3A_688 = tpu.vector_load %arg5[%get3A_686, %get3A_687] {strides = array<i32>} : memref<4x8192xf32, #tpu.memory_space<vmem>>, vector<16xf32>,
      %gt3A_689 = arith.cmpf ogt, %get3A_688, %scan3A_650 : vector<16xf32>
      %select_n3A_690 = arith.select %gt3A_689, %get3A_688, %scan3A_650 : vector<16xi1>, vector<16xf32>
      %select_n3A_691 = arith.select %gt3A_689, %scan3A_665, %scan3A_658 : vector<16xi1>, vector<16xi32>
      %mul3A_692 = arith.constant 32 : i32
      %mul3A_693 = arith.muli %scan3A_648, %mul3A_692 : i32
      %add3A_694 = arith.constant 2048 : i32
      %add3A_695 = arith.addi %mul3A_693, %add3A_694 : i32
      %add3A_696 = arith.constant 0 : i32
      %add3A_697 = arith.addi %add3A_695, %add3A_696 : i32
      %get3A_698 = arith.constant 3 : i32
      %get3A_699 = arith.index_cast %get3A_698 : i32 to index
      %get3A_700 = arith.index_cast %add3A_697 : i32 to index
      %get3A_701 = tpu.vector_load %arg5[%get3A_699, %get3A_700] {strides = array<i32>} : memref<4x8192xf32, #tpu.memory_space<vmem>>, vector<16xf32>,
      %gt3A_702 = arith.cmpf ogt, %get3A_701, %scan3A_651 : vector<16xf32>
      %select_n3A_703 = arith.select %gt3A_702, %get3A_701, %scan3A_651 : vector<16xi1>, vector<16xf32>
      %select_n3A_704 = arith.select %gt3A_702, %scan3A_665, %scan3A_659 : vector<16xi1>, vector<16xi32>
      %mul3A_705 = arith.constant 32 : i32
      %mul3A_706 = arith.muli %scan3A_648, %mul3A_705 : i32
      %add3A_707 = arith.constant 3072 : i32
      %add3A_708 = arith.addi %mul3A_706, %add3A_707 : i32
      %add3A_709 = arith.constant 0 : i32
      %add3A_710 = arith.addi %add3A_708, %add3A_709 : i32
      %get3A_711 = arith.constant 3 : i32
      %get3A_712 = arith.index_cast %get3A_711 : i32 to index
      %get3A_713 = arith.index_cast %add3A_710 : i32 to index
      %get3A_714 = tpu.vector_load %arg5[%get3A_712, %get3A_713] {strides = array<i32>} : memref<4x8192xf32, #tpu.memory_space<vmem>>, vector<16xf32>,
      %gt3A_715 = arith.cmpf ogt, %get3A_714, %scan3A_652 : vector<16xf32>
      %select_n3A_716 = arith.select %gt3A_715, %get3A_714, %scan3A_652 : vector<16xi1>, vector<16xf32>
      %select_n3A_717 = arith.select %gt3A_715, %scan3A_665, %scan3A_660 : vector<16xi1>, vector<16xi32>
      %mul3A_718 = arith.constant 32 : i32
      %mul3A_719 = arith.muli %scan3A_648, %mul3A_718 : i32
      %add3A_720 = arith.constant 4096 : i32
      %add3A_721 = arith.addi %mul3A_719, %add3A_720 : i32
      %add3A_722 = arith.constant 0 : i32
      %add3A_723 = arith.addi %add3A_721, %add3A_722 : i32
      %get3A_724 = arith.constant 3 : i32
      %get3A_725 = arith.index_cast %get3A_724 : i32 to index
      %get3A_726 = arith.index_cast %add3A_723 : i32 to index
      %get3A_727 = tpu.vector_load %arg5[%get3A_725, %get3A_726] {strides = array<i32>} : memref<4x8192xf32, #tpu.memory_space<vmem>>, vector<16xf32>,
      %gt3A_728 = arith.cmpf ogt, %get3A_727, %scan3A_653 : vector<16xf32>
      %select_n3A_729 = arith.select %gt3A_728, %get3A_727, %scan3A_653 : vector<16xi1>, vector<16xf32>
      %select_n3A_730 = arith.select %gt3A_728, %scan3A_665, %scan3A_661 : vector<16xi1>, vector<16xi32>
      %mul3A_731 = arith.constant 32 : i32
      %mul3A_732 = arith.muli %scan3A_648, %mul3A_731 : i32
      %add3A_733 = arith.constant 5120 : i32
      %add3A_734 = arith.addi %mul3A_732, %add3A_733 : i32
      %add3A_735 = arith.constant 0 : i32
      %add3A_736 = arith.addi %add3A_734, %add3A_735 : i32
      %get3A_737 = arith.constant 3 : i32
      %get3A_738 = arith.index_cast %get3A_737 : i32 to index
      %get3A_739 = arith.index_cast %add3A_736 : i32 to index
      %get3A_740 = tpu.vector_load %arg5[%get3A_738, %get3A_739] {strides = array<i32>} : memref<4x8192xf32, #tpu.memory_space<vmem>>, vector<16xf32>,
      %gt3A_741 = arith.cmpf ogt, %get3A_740, %scan3A_654 : vector<16xf32>
      %select_n3A_742 = arith.select %gt3A_741, %get3A_740, %scan3A_654 : vector<16xi1>, vector<16xf32>
      %select_n3A_743 = arith.select %gt3A_741, %scan3A_665, %scan3A_662 : vector<16xi1>, vector<16xi32>
      %mul3A_744 = arith.constant 32 : i32
      %mul3A_745 = arith.muli %scan3A_648, %mul3A_744 : i32
      %add3A_746 = arith.constant 6144 : i32
      %add3A_747 = arith.addi %mul3A_745, %add3A_746 : i32
      %add3A_748 = arith.constant 0 : i32
      %add3A_749 = arith.addi %add3A_747, %add3A_748 : i32
      %get3A_750 = arith.constant 3 : i32
      %get3A_751 = arith.index_cast %get3A_750 : i32 to index
      %get3A_752 = arith.index_cast %add3A_749 : i32 to index
      %get3A_753 = tpu.vector_load %arg5[%get3A_751, %get3A_752] {strides = array<i32>} : memref<4x8192xf32, #tpu.memory_space<vmem>>, vector<16xf32>,
      %gt3A_754 = arith.cmpf ogt, %get3A_753, %scan3A_655 : vector<16xf32>
      %select_n3A_755 = arith.select %gt3A_754, %get3A_753, %scan3A_655 : vector<16xi1>, vector<16xf32>
      %select_n3A_756 = arith.select %gt3A_754, %scan3A_665, %scan3A_663 : vector<16xi1>, vector<16xi32>
      %mul3A_757 = arith.constant 32 : i32
      %mul3A_758 = arith.muli %scan3A_648, %mul3A_757 : i32
      %add3A_759 = arith.constant 7168 : i32
      %add3A_760 = arith.addi %mul3A_758, %add3A_759 : i32
      %add3A_761 = arith.constant 0 : i32
      %add3A_762 = arith.addi %add3A_760, %add3A_761 : i32
      %get3A_763 = arith.constant 3 : i32
      %get3A_764 = arith.index_cast %get3A_763 : i32 to index
      %get3A_765 = arith.index_cast %add3A_762 : i32 to index
      %get3A_766 = tpu.vector_load %arg5[%get3A_764, %get3A_765] {strides = array<i32>} : memref<4x8192xf32, #tpu.memory_space<vmem>>, vector<16xf32>,
      %gt3A_767 = arith.cmpf ogt, %get3A_766, %scan3A_656 : vector<16xf32>
      %select_n3A_768 = arith.select %gt3A_767, %get3A_766, %scan3A_656 : vector<16xi1>, vector<16xf32>
      %select_n3A_769 = arith.select %gt3A_767, %scan3A_665, %scan3A_664 : vector<16xi1>, vector<16xi32>
      %add3A_770 = arith.addi %scan3A_665, %broadcast_in_dim3A_48 : vector<16xi32>
      %mul3A_771 = arith.constant 32 : i32
      %mul3A_772 = arith.muli %scan3A_648, %mul3A_771 : i32
      %add3A_773 = arith.constant 0 : i32
      %add3A_774 = arith.addi %mul3A_772, %add3A_773 : i32
      %add3A_775 = arith.constant 16 : i32
      %add3A_776 = arith.addi %add3A_774, %add3A_775 : i32
      %get3A_777 = arith.constant 3 : i32
      %get3A_778 = arith.index_cast %get3A_777 : i32 to index
      %get3A_779 = arith.index_cast %add3A_776 : i32 to index
      %get3A_780 = tpu.vector_load %arg5[%get3A_778, %get3A_779] {strides = array<i32>} : memref<4x8192xf32, #tpu.memory_space<vmem>>, vector<16xf32>,
      %gt3A_781 = arith.cmpf ogt, %get3A_780, %select_n3A_677 : vector<16xf32>
      %select_n3A_782 = arith.select %gt3A_781, %get3A_780, %select_n3A_677 : vector<16xi1>, vector<16xf32>
      %select_n3A_783 = arith.select %gt3A_781, %add3A_770, %select_n3A_678 : vector<16xi1>, vector<16xi32>
      %mul3A_784 = arith.constant 32 : i32
      %mul3A_785 = arith.muli %scan3A_648, %mul3A_784 : i32
      %add3A_786 = arith.constant 1024 : i32
      %add3A_787 = arith.addi %mul3A_785, %add3A_786 : i32
      %add3A_788 = arith.constant 16 : i32
      %add3A_789 = arith.addi %add3A_787, %add3A_788 : i32
      %get3A_790 = arith.constant 3 : i32
      %get3A_791 = arith.index_cast %get3A_790 : i32 to index
      %get3A_792 = arith.index_cast %add3A_789 : i32 to index
      %get3A_793 = tpu.vector_load %arg5[%get3A_791, %get3A_792] {strides = array<i32>} : memref<4x8192xf32, #tpu.memory_space<vmem>>, vector<16xf32>,
      %gt3A_794 = arith.cmpf ogt, %get3A_793, %select_n3A_690 : vector<16xf32>
      %select_n3A_795 = arith.select %gt3A_794, %get3A_793, %select_n3A_690 : vector<16xi1>, vector<16xf32>
      %select_n3A_796 = arith.select %gt3A_794, %add3A_770, %select_n3A_691 : vector<16xi1>, vector<16xi32>
      %mul3A_797 = arith.constant 32 : i32
      %mul3A_798 = arith.muli %scan3A_648, %mul3A_797 : i32
      %add3A_799 = arith.constant 2048 : i32
      %add3A_800 = arith.addi %mul3A_798, %add3A_799 : i32
      %add3A_801 = arith.constant 16 : i32
      %add3A_802 = arith.addi %add3A_800, %add3A_801 : i32
      %get3A_803 = arith.constant 3 : i32
      %get3A_804 = arith.index_cast %get3A_803 : i32 to index
      %get3A_805 = arith.index_cast %add3A_802 : i32 to index
      %get3A_806 = tpu.vector_load %arg5[%get3A_804, %get3A_805] {strides = array<i32>} : memref<4x8192xf32, #tpu.memory_space<vmem>>, vector<16xf32>,
      %gt3A_807 = arith.cmpf ogt, %get3A_806, %select_n3A_703 : vector<16xf32>
      %select_n3A_808 = arith.select %gt3A_807, %get3A_806, %select_n3A_703 : vector<16xi1>, vector<16xf32>
      %select_n3A_809 = arith.select %gt3A_807, %add3A_770, %select_n3A_704 : vector<16xi1>, vector<16xi32>
      %mul3A_810 = arith.constant 32 : i32
      %mul3A_811 = arith.muli %scan3A_648, %mul3A_810 : i32
      %add3A_812 = arith.constant 3072 : i32
      %add3A_813 = arith.addi %mul3A_811, %add3A_812 : i32
      %add3A_814 = arith.constant 16 : i32
      %add3A_815 = arith.addi %add3A_813, %add3A_814 : i32
      %get3A_816 = arith.constant 3 : i32
      %get3A_817 = arith.index_cast %get3A_816 : i32 to index
      %get3A_818 = arith.index_cast %add3A_815 : i32 to index
      %get3A_819 = tpu.vector_load %arg5[%get3A_817, %get3A_818] {strides = array<i32>} : memref<4x8192xf32, #tpu.memory_space<vmem>>, vector<16xf32>,
      %gt3A_820 = arith.cmpf ogt, %get3A_819, %select_n3A_716 : vector<16xf32>
      %select_n3A_821 = arith.select %gt3A_820, %get3A_819, %select_n3A_716 : vector<16xi1>, vector<16xf32>
      %select_n3A_822 = arith.select %gt3A_820, %add3A_770, %select_n3A_717 : vector<16xi1>, vector<16xi32>
      %mul3A_823 = arith.constant 32 : i32
      %mul3A_824 = arith.muli %scan3A_648, %mul3A_823 : i32
      %add3A_825 = arith.constant 4096 : i32
      %add3A_826 = arith.addi %mul3A_824, %add3A_825 : i32
      %add3A_827 = arith.constant 16 : i32
      %add3A_828 = arith.addi %add3A_826, %add3A_827 : i32
      %get3A_829 = arith.constant 3 : i32
      %get3A_830 = arith.index_cast %get3A_829 : i32 to index
      %get3A_831 = arith.index_cast %add3A_828 : i32 to index
      %get3A_832 = tpu.vector_load %arg5[%get3A_830, %get3A_831] {strides = array<i32>} : memref<4x8192xf32, #tpu.memory_space<vmem>>, vector<16xf32>,
      %gt3A_833 = arith.cmpf ogt, %get3A_832, %select_n3A_729 : vector<16xf32>
      %select_n3A_834 = arith.select %gt3A_833, %get3A_832, %select_n3A_729 : vector<16xi1>, vector<16xf32>
      %select_n3A_835 = arith.select %gt3A_833, %add3A_770, %select_n3A_730 : vector<16xi1>, vector<16xi32>
      %mul3A_836 = arith.constant 32 : i32
      %mul3A_837 = arith.muli %scan3A_648, %mul3A_836 : i32
      %add3A_838 = arith.constant 5120 : i32
      %add3A_839 = arith.addi %mul3A_837, %add3A_838 : i32
      %add3A_840 = arith.constant 16 : i32
      %add3A_841 = arith.addi %add3A_839, %add3A_840 : i32
      %get3A_842 = arith.constant 3 : i32
      %get3A_843 = arith.index_cast %get3A_842 : i32 to index
      %get3A_844 = arith.index_cast %add3A_841 : i32 to index
      %get3A_845 = tpu.vector_load %arg5[%get3A_843, %get3A_844] {strides = array<i32>} : memref<4x8192xf32, #tpu.memory_space<vmem>>, vector<16xf32>,
      %gt3A_846 = arith.cmpf ogt, %get3A_845, %select_n3A_742 : vector<16xf32>
      %select_n3A_847 = arith.select %gt3A_846, %get3A_845, %select_n3A_742 : vector<16xi1>, vector<16xf32>
      %select_n3A_848 = arith.select %gt3A_846, %add3A_770, %select_n3A_743 : vector<16xi1>, vector<16xi32>
      %mul3A_849 = arith.constant 32 : i32
      %mul3A_850 = arith.muli %scan3A_648, %mul3A_849 : i32
      %add3A_851 = arith.constant 6144 : i32
      %add3A_852 = arith.addi %mul3A_850, %add3A_851 : i32
      %add3A_853 = arith.constant 16 : i32
      %add3A_854 = arith.addi %add3A_852, %add3A_853 : i32
      %get3A_855 = arith.constant 3 : i32
      %get3A_856 = arith.index_cast %get3A_855 : i32 to index
      %get3A_857 = arith.index_cast %add3A_854 : i32 to index
      %get3A_858 = tpu.vector_load %arg5[%get3A_856, %get3A_857] {strides = array<i32>} : memref<4x8192xf32, #tpu.memory_space<vmem>>, vector<16xf32>,
      %gt3A_859 = arith.cmpf ogt, %get3A_858, %select_n3A_755 : vector<16xf32>
      %select_n3A_860 = arith.select %gt3A_859, %get3A_858, %select_n3A_755 : vector<16xi1>, vector<16xf32>
      %select_n3A_861 = arith.select %gt3A_859, %add3A_770, %select_n3A_756 : vector<16xi1>, vector<16xi32>
      %mul3A_862 = arith.constant 32 : i32
      %mul3A_863 = arith.muli %scan3A_648, %mul3A_862 : i32
      %add3A_864 = arith.constant 7168 : i32
      %add3A_865 = arith.addi %mul3A_863, %add3A_864 : i32
      %add3A_866 = arith.constant 16 : i32
      %add3A_867 = arith.addi %add3A_865, %add3A_866 : i32
      %get3A_868 = arith.constant 3 : i32
      %get3A_869 = arith.index_cast %get3A_868 : i32 to index
      %get3A_870 = arith.index_cast %add3A_867 : i32 to index
      %get3A_871 = tpu.vector_load %arg5[%get3A_869, %get3A_870] {strides = array<i32>} : memref<4x8192xf32, #tpu.memory_space<vmem>>, vector<16xf32>,
      %gt3A_872 = arith.cmpf ogt, %get3A_871, %select_n3A_768 : vector<16xf32>
      %select_n3A_873 = arith.select %gt3A_872, %get3A_871, %select_n3A_768 : vector<16xi1>, vector<16xf32>
      %select_n3A_874 = arith.select %gt3A_872, %add3A_770, %select_n3A_769 : vector<16xi1>, vector<16xi32>
      %add3A_875 = arith.addi %add3A_770, %broadcast_in_dim3A_48 : vector<16xi32>
      scf.yield %select_n3A_782, %select_n3A_795, %select_n3A_808, %select_n3A_821, %select_n3A_834, %select_n3A_847, %select_n3A_860, %select_n3A_873, %select_n3A_783, %select_n3A_796, %select_n3A_809, %select_n3A_822, %select_n3A_835, %select_n3A_848, %select_n3A_861, %select_n3A_874, %add3A_875 : vector<16xf32>, vector<16xf32>, vector<16xf32>, vector<16xf32>, vector<16xf32>, vector<16xf32>, vector<16xf32>, vector<16xf32>, vector<16xi32>, vector<16xi32>, vector<16xi32>, vector<16xi32>, vector<16xi32>, vector<16xi32>, vector<16xi32>, vector<16xi32>, vector<16xi32>
    }
    %scan3A_416 = arith.constant 32 : i32
    %mul3A_417 = arith.constant 16 : i32
    %mul3A_418 = vector.broadcast %mul3A_417 : i32 to vector<16xi32>
    %mul3A_419 = arith.muli %scan3A_415#8, %mul3A_418 : vector<16xi32>
    %add3A_420 = arith.addi %mul3A_419, %iota3A : vector<16xi32>
    %mul3A_421 = arith.constant 16 : i32
    %mul3A_422 = vector.broadcast %mul3A_421 : i32 to vector<16xi32>
    %mul3A_423 = arith.muli %scan3A_415#9, %mul3A_422 : vector<16xi32>
    %add3A_424 = arith.constant 1024 : i32
    %add3A_425 = vector.broadcast %add3A_424 : i32 to vector<16xi32>
    %add3A_426 = arith.addi %mul3A_423, %add3A_425 : vector<16xi32>
    %add3A_427 = arith.addi %add3A_426, %iota3A : vector<16xi32>
    %gt3A_428 = arith.cmpf ogt, %scan3A_415#1, %scan3A_415#0 : vector<16xf32>
    %select_n3A_429 = arith.select %gt3A_428, %scan3A_415#1, %scan3A_415#0 : vector<16xi1>, vector<16xf32>
    %select_n3A_430 = arith.select %gt3A_428, %add3A_427, %add3A_420 : vector<16xi1>, vector<16xi32>
    %mul3A_431 = arith.constant 16 : i32
    %mul3A_432 = vector.broadcast %mul3A_431 : i32 to vector<16xi32>
    %mul3A_433 = arith.muli %scan3A_415#10, %mul3A_432 : vector<16xi32>
    %add3A_434 = arith.constant 2048 : i32
    %add3A_435 = vector.broadcast %add3A_434 : i32 to vector<16xi32>
    %add3A_436 = arith.addi %mul3A_433, %add3A_435 : vector<16xi32>
    %add3A_437 = arith.addi %add3A_436, %iota3A : vector<16xi32>
    %gt3A_438 = arith.cmpf ogt, %scan3A_415#2, %select_n3A_429 : vector<16xf32>
    %select_n3A_439 = arith.select %gt3A_438, %scan3A_415#2, %select_n3A_429 : vector<16xi1>, vector<16xf32>
    %select_n3A_440 = arith.select %gt3A_438, %add3A_437, %select_n3A_430 : vector<16xi1>, vector<16xi32>
    %mul3A_441 = arith.constant 16 : i32
    %mul3A_442 = vector.broadcast %mul3A_441 : i32 to vector<16xi32>
    %mul3A_443 = arith.muli %scan3A_415#11, %mul3A_442 : vector<16xi32>
    %add3A_444 = arith.constant 3072 : i32
    %add3A_445 = vector.broadcast %add3A_444 : i32 to vector<16xi32>
    %add3A_446 = arith.addi %mul3A_443, %add3A_445 : vector<16xi32>
    %add3A_447 = arith.addi %add3A_446, %iota3A : vector<16xi32>
    %gt3A_448 = arith.cmpf ogt, %scan3A_415#3, %select_n3A_439 : vector<16xf32>
    %select_n3A_449 = arith.select %gt3A_448, %scan3A_415#3, %select_n3A_439 : vector<16xi1>, vector<16xf32>
    %select_n3A_450 = arith.select %gt3A_448, %add3A_447, %select_n3A_440 : vector<16xi1>, vector<16xi32>
    %mul3A_451 = arith.constant 16 : i32
    %mul3A_452 = vector.broadcast %mul3A_451 : i32 to vector<16xi32>
    %mul3A_453 = arith.muli %scan3A_415#12, %mul3A_452 : vector<16xi32>
    %add3A_454 = arith.constant 4096 : i32
    %add3A_455 = vector.broadcast %add3A_454 : i32 to vector<16xi32>
    %add3A_456 = arith.addi %mul3A_453, %add3A_455 : vector<16xi32>
    %add3A_457 = arith.addi %add3A_456, %iota3A : vector<16xi32>
    %gt3A_458 = arith.cmpf ogt, %scan3A_415#4, %select_n3A_449 : vector<16xf32>
    %select_n3A_459 = arith.select %gt3A_458, %scan3A_415#4, %select_n3A_449 : vector<16xi1>, vector<16xf32>
    %select_n3A_460 = arith.select %gt3A_458, %add3A_457, %select_n3A_450 : vector<16xi1>, vector<16xi32>
    %mul3A_461 = arith.constant 16 : i32
    %mul3A_462 = vector.broadcast %mul3A_461 : i32 to vector<16xi32>
    %mul3A_463 = arith.muli %scan3A_415#13, %mul3A_462 : vector<16xi32>
    %add3A_464 = arith.constant 5120 : i32
    %add3A_465 = vector.broadcast %add3A_464 : i32 to vector<16xi32>
    %add3A_466 = arith.addi %mul3A_463, %add3A_465 : vector<16xi32>
    %add3A_467 = arith.addi %add3A_466, %iota3A : vector<16xi32>
    %gt3A_468 = arith.cmpf ogt, %scan3A_415#5, %select_n3A_459 : vector<16xf32>
    %select_n3A_469 = arith.select %gt3A_468, %scan3A_415#5, %select_n3A_459 : vector<16xi1>, vector<16xf32>
    %select_n3A_470 = arith.select %gt3A_468, %add3A_467, %select_n3A_460 : vector<16xi1>, vector<16xi32>
    %mul3A_471 = arith.constant 16 : i32
    %mul3A_472 = vector.broadcast %mul3A_471 : i32 to vector<16xi32>
    %mul3A_473 = arith.muli %scan3A_415#14, %mul3A_472 : vector<16xi32>
    %add3A_474 = arith.constant 6144 : i32
    %add3A_475 = vector.broadcast %add3A_474 : i32 to vector<16xi32>
    %add3A_476 = arith.addi %mul3A_473, %add3A_475 : vector<16xi32>
    %add3A_477 = arith.addi %add3A_476, %iota3A : vector<16xi32>
    %gt3A_478 = arith.cmpf ogt, %scan3A_415#6, %select_n3A_469 : vector<16xf32>
    %select_n3A_479 = arith.select %gt3A_478, %scan3A_415#6, %select_n3A_469 : vector<16xi1>, vector<16xf32>
    %select_n3A_480 = arith.select %gt3A_478, %add3A_477, %select_n3A_470 : vector<16xi1>, vector<16xi32>
    %mul3A_481 = arith.constant 16 : i32
    %mul3A_482 = vector.broadcast %mul3A_481 : i32 to vector<16xi32>
    %mul3A_483 = arith.muli %scan3A_415#15, %mul3A_482 : vector<16xi32>
    %add3A_484 = arith.constant 7168 : i32
    %add3A_485 = vector.broadcast %add3A_484 : i32 to vector<16xi32>
    %add3A_486 = arith.addi %mul3A_483, %add3A_485 : vector<16xi32>
    %add3A_487 = arith.addi %add3A_486, %iota3A : vector<16xi32>
    %gt3A_488 = arith.cmpf ogt, %scan3A_415#7, %select_n3A_479 : vector<16xf32>
    %select_n3A_489 = arith.select %gt3A_488, %scan3A_415#7, %select_n3A_479 : vector<16xi1>, vector<16xf32>
    %select_n3A_490 = arith.select %gt3A_488, %add3A_487, %select_n3A_480 : vector<16xi1>, vector<16xi32>
    %reduce_max3A_491 = arith.constant true
    %reduce_max3A_492 = vector.broadcast %reduce_max3A_491 : i1 to vector<16xi1>
    %reduce_max3A_493 = tpu.scan <max>, %select_n3A_489 masked %reduce_max3A_492 : vector<16xf32>, vector<16xi1> -> vector<16xf32>
    %reduce_max3A_494 = vector.extract %reduce_max3A_493[15] : f32 from vector<16xf32>
    %eq3A_495 = vector.broadcast %reduce_max3A_494 : f32 to vector<16xf32>
    %eq3A_496 = arith.cmpf oeq, %select_n3A_489, %eq3A_495 : vector<16xf32>
    %jit3A_497 = arith.constant 1073741824 : i32
    %broadcast_in_dim3A_498 = vector.broadcast %jit3A_497 : i32 to vector<16xi32>
    %select_n3A_499 = arith.select %eq3A_496, %select_n3A_490, %broadcast_in_dim3A_498 : vector<16xi1>, vector<16xi32>
    %reduce_min3A_500 = arith.constant true
    %reduce_min3A_501 = vector.broadcast %reduce_min3A_500 : i1 to vector<16xi1>
    %reduce_min3A_502 = arith.constant -2147483648 : i32
    %reduce_min3A_503 = vector.broadcast %reduce_min3A_502 : i32 to vector<16xi32>
    %reduce_min3A_504 = arith.xori %select_n3A_499, %reduce_min3A_503 : vector<16xi32>
    %reduce_min3A_505 = tpu.scan <min>, %reduce_min3A_504 masked %reduce_min3A_501 : vector<16xi32>, vector<16xi1> -> vector<16xi32>
    %reduce_min3A_506 = arith.xori %reduce_min3A_505, %reduce_min3A_503 : vector<16xi32>
    %reduce_min3A_507 = vector.extract %reduce_min3A_506[15] : i32 from vector<16xi32>
    %and3A_508 = arith.constant -128 : i32
    %and3A_509 = arith.andi %reduce_min3A_507, %and3A_508 : i32
    %multiple_of3A_510 = tpu.assume_multiple %and3A_509, 128 : i32
    %dma_start3A_511 = arith.constant 3 : i32
    %dma_start3A_512 = arith.constant 0 : i32
    %dma_start3A_513 = arith.constant 0 : i32
    %dma_start3A_514 = tpu.memref_slice %arg6[%dma_start3A_511, %dma_start3A_512, %dma_start3A_513] : memref<4x8x128xf32, #tpu.memory_space<vmem>> -> memref<1x8x128xf32, #tpu.memory_space<vmem>>
    %dma_start3A_515 = tpu.memref_squeeze %dma_start3A_514 : memref<1x8x128xf32, #tpu.memory_space<vmem>> -> memref<8x128xf32, #tpu.memory_space<vmem>>
    %dma_start3A_516 = tpu.memref_slice %arg3[%multiple_of3A, %multiple_of3A_510] : memref<128x8192xf32, #tpu.memory_space<hbm>> -> memref<8x128xf32, #tpu.memory_space<hbm>>
    %dma_start3A_517 = arith.constant 0 : i32
    %dma_start3A_518 = arith.constant 0 : i32
    %dma_start3A_519 = tpu.memref_slice %arg6[%dma_start3A_511, %dma_start3A_517, %dma_start3A_518] : memref<4x8x128xf32, #tpu.memory_space<vmem>> -> memref<1x8x128xf32, #tpu.memory_space<vmem>>
    %dma_start3A_520 = tpu.memref_squeeze %dma_start3A_519 : memref<1x8x128xf32, #tpu.memory_space<vmem>> -> memref<8x128xf32, #tpu.memory_space<vmem>>
    %dma_start3A_521 = tpu.memref_slice %arg3[%multiple_of3A, %multiple_of3A_510] : memref<128x8192xf32, #tpu.memory_space<hbm>> -> memref<8x128xf32, #tpu.memory_space<hbm>>
    tpu.enqueue_dma source(%dma_start3A_521 : memref<8x128xf32, #tpu.memory_space<hbm>>) target(%dma_start3A_520 : memref<8x128xf32, #tpu.memory_space<vmem>>) target_semaphore(%arg8 : memref<!tpu.dma_semaphore, #tpu.memory_space<semaphore_mem>>)
    %broadcast_in_dim3A_522 = arith.constant 0.000000e+00 : f32
    %broadcast_in_dim3A_523 = vector.broadcast %broadcast_in_dim3A_522 : f32 to vector<16xf32>
    %dma_wait3A_524 = arith.constant 0 : i32
    %dma_wait3A_525 = arith.constant 0 : i32
    %dma_wait3A_526 = arith.constant 0 : i32
    %dma_wait3A_527 = tpu.memref_slice %arg6[%dma_wait3A_524, %dma_wait3A_525, %dma_wait3A_526] : memref<4x8x128xf32, #tpu.memory_space<vmem>> -> memref<1x8x128xf32, #tpu.memory_space<vmem>>
    %dma_wait3A_528 = tpu.memref_squeeze %dma_wait3A_527 : memref<1x8x128xf32, #tpu.memory_space<vmem>> -> memref<8x128xf32, #tpu.memory_space<vmem>>
    %dma_wait3A_529 = tpu.memref_slice %arg3[%multiple_of3A, %multiple_of3A_150] : memref<128x8192xf32, #tpu.memory_space<hbm>> -> memref<8x128xf32, #tpu.memory_space<hbm>>
    %dma_wait3A_530 = arith.constant 0 : i32
    %dma_wait3A_531 = arith.constant 0 : i32
    %dma_wait3A_532 = tpu.memref_slice %arg6[%dma_wait3A_524, %dma_wait3A_530, %dma_wait3A_531] : memref<4x8x128xf32, #tpu.memory_space<vmem>> -> memref<1x8x128xf32, #tpu.memory_space<vmem>>
    %dma_wait3A_533 = tpu.memref_squeeze %dma_wait3A_532 : memref<1x8x128xf32, #tpu.memory_space<vmem>> -> memref<8x128xf32, #tpu.memory_space<vmem>>
    %dma_wait3A_534 = tpu.memref_slice %arg3[%multiple_of3A, %multiple_of3A_150] : memref<128x8192xf32, #tpu.memory_space<hbm>> -> memref<8x128xf32, #tpu.memory_space<hbm>>
    tpu.wait_dma2 semaphore(%arg8 : memref<!tpu.dma_semaphore, #tpu.memory_space<semaphore_mem>>) src(%dma_wait3A_534 : memref<8x128xf32, #tpu.memory_space<hbm>>) dst(%dma_wait3A_533 : memref<8x128xf32, #tpu.memory_space<vmem>>)
    %and3A_535 = arith.constant 127 : i32
    %and3A_536 = arith.andi %reduce_min3A_147, %and3A_535 : i32
    %and3A_537 = arith.constant -16 : i32
    %and3A_538 = arith.andi %and3A_536, %and3A_537 : i32
    %multiple_of3A_539 = tpu.assume_multiple %and3A_538, 16 : i32
    %add3A_540 = arith.constant 0 : i32
    %add3A_541 = arith.addi %mul3A_36, %add3A_540 : i32
    %get3A = arith.constant 0 : i32
    %get3A_542 = arith.index_cast %get3A : i32 to index
    %get3A_543 = arith.index_cast %add3A_541 : i32 to index
    %get3A_544 = arith.index_cast %multiple_of3A_539 : i32 to index
    %get3A_545 = tpu.vector_load %arg6[%get3A_542, %get3A_543, %get3A_544] {strides = array<i32>} : memref<4x8x128xf32, #tpu.memory_space<vmem>>, vector<16xf32>,
    %and3A_546 = arith.constant 15 : i32
    %and3A_547 = arith.andi %and3A_536, %and3A_546 : i32
    %eq3A_548 = vector.broadcast %and3A_547 : i32 to vector<16xi32>
    %eq3A_549 = arith.cmpi eq, %iota3A, %eq3A_548 : vector<16xi32>
    %jit3A_550 = arith.constant 0.000000e+00 : f32
    %broadcast_in_dim3A_551 = vector.broadcast %jit3A_550 : f32 to vector<16xf32>
    %select_n3A_552 = arith.select %eq3A_549, %get3A_545, %broadcast_in_dim3A_551 : vector<16xi1>, vector<16xf32>
    %add3A_553 = arith.addf %broadcast_in_dim3A_523, %select_n3A_552 : vector<16xf32>
    %dma_wait3A_554 = arith.constant 1 : i32
    %dma_wait3A_555 = arith.constant 0 : i32
    %dma_wait3A_556 = arith.constant 0 : i32
    %dma_wait3A_557 = tpu.memref_slice %arg6[%dma_wait3A_554, %dma_wait3A_555, %dma_wait3A_556] : memref<4x8x128xf32, #tpu.memory_space<vmem>> -> memref<1x8x128xf32, #tpu.memory_space<vmem>>
    %dma_wait3A_558 = tpu.memref_squeeze %dma_wait3A_557 : memref<1x8x128xf32, #tpu.memory_space<vmem>> -> memref<8x128xf32, #tpu.memory_space<vmem>>
    %dma_wait3A_559 = tpu.memref_slice %arg3[%multiple_of3A, %multiple_of3A_267] : memref<128x8192xf32, #tpu.memory_space<hbm>> -> memref<8x128xf32, #tpu.memory_space<hbm>>
    %dma_wait3A_560 = arith.constant 0 : i32
    %dma_wait3A_561 = arith.constant 0 : i32
    %dma_wait3A_562 = tpu.memref_slice %arg6[%dma_wait3A_554, %dma_wait3A_560, %dma_wait3A_561] : memref<4x8x128xf32, #tpu.memory_space<vmem>> -> memref<1x8x128xf32, #tpu.memory_space<vmem>>
    %dma_wait3A_563 = tpu.memref_squeeze %dma_wait3A_562 : memref<1x8x128xf32, #tpu.memory_space<vmem>> -> memref<8x128xf32, #tpu.memory_space<vmem>>
    %dma_wait3A_564 = tpu.memref_slice %arg3[%multiple_of3A, %multiple_of3A_267] : memref<128x8192xf32, #tpu.memory_space<hbm>> -> memref<8x128xf32, #tpu.memory_space<hbm>>
    tpu.wait_dma2 semaphore(%arg8 : memref<!tpu.dma_semaphore, #tpu.memory_space<semaphore_mem>>) src(%dma_wait3A_564 : memref<8x128xf32, #tpu.memory_space<hbm>>) dst(%dma_wait3A_563 : memref<8x128xf32, #tpu.memory_space<vmem>>)
    %and3A_565 = arith.constant 127 : i32
    %and3A_566 = arith.andi %reduce_min3A_264, %and3A_565 : i32
    %and3A_567 = arith.constant -16 : i32
    %and3A_568 = arith.andi %and3A_566, %and3A_567 : i32
    %multiple_of3A_569 = tpu.assume_multiple %and3A_568, 16 : i32
    %add3A_570 = arith.constant 1 : i32
    %add3A_571 = arith.addi %mul3A_36, %add3A_570 : i32
    %get3A_572 = arith.constant 1 : i32
    %get3A_573 = arith.index_cast %get3A_572 : i32 to index
    %get3A_574 = arith.index_cast %add3A_571 : i32 to index
    %get3A_575 = arith.index_cast %multiple_of3A_569 : i32 to index
    %get3A_576 = tpu.vector_load %arg6[%get3A_573, %get3A_574, %get3A_575] {strides = array<i32>} : memref<4x8x128xf32, #tpu.memory_space<vmem>>, vector<16xf32>,
    %and3A_577 = arith.constant 15 : i32
    %and3A_578 = arith.andi %and3A_566, %and3A_577 : i32
    %eq3A_579 = vector.broadcast %and3A_578 : i32 to vector<16xi32>
    %eq3A_580 = arith.cmpi eq, %iota3A, %eq3A_579 : vector<16xi32>
    %jit3A_581 = arith.constant 0.000000e+00 : f32
    %broadcast_in_dim3A_582 = vector.broadcast %jit3A_581 : f32 to vector<16xf32>
    %select_n3A_583 = arith.select %eq3A_580, %get3A_576, %broadcast_in_dim3A_582 : vector<16xi1>, vector<16xf32>
    %add3A_584 = arith.addf %add3A_553, %select_n3A_583 : vector<16xf32>
    %dma_wait3A_585 = arith.constant 2 : i32
    %dma_wait3A_586 = arith.constant 0 : i32
    %dma_wait3A_587 = arith.constant 0 : i32
    %dma_wait3A_588 = tpu.memref_slice %arg6[%dma_wait3A_585, %dma_wait3A_586, %dma_wait3A_587] : memref<4x8x128xf32, #tpu.memory_space<vmem>> -> memref<1x8x128xf32, #tpu.memory_space<vmem>>
    %dma_wait3A_589 = tpu.memref_squeeze %dma_wait3A_588 : memref<1x8x128xf32, #tpu.memory_space<vmem>> -> memref<8x128xf32, #tpu.memory_space<vmem>>
    %dma_wait3A_590 = tpu.memref_slice %arg3[%multiple_of3A, %multiple_of3A_393] : memref<128x8192xf32, #tpu.memory_space<hbm>> -> memref<8x128xf32, #tpu.memory_space<hbm>>
    %dma_wait3A_591 = arith.constant 0 : i32
    %dma_wait3A_592 = arith.constant 0 : i32
    %dma_wait3A_593 = tpu.memref_slice %arg6[%dma_wait3A_585, %dma_wait3A_591, %dma_wait3A_592] : memref<4x8x128xf32, #tpu.memory_space<vmem>> -> memref<1x8x128xf32, #tpu.memory_space<vmem>>
    %dma_wait3A_594 = tpu.memref_squeeze %dma_wait3A_593 : memref<1x8x128xf32, #tpu.memory_space<vmem>> -> memref<8x128xf32, #tpu.memory_space<vmem>>
    %dma_wait3A_595 = tpu.memref_slice %arg3[%multiple_of3A, %multiple_of3A_393] : memref<128x8192xf32, #tpu.memory_space<hbm>> -> memref<8x128xf32, #tpu.memory_space<hbm>>
    tpu.wait_dma2 semaphore(%arg8 : memref<!tpu.dma_semaphore, #tpu.memory_space<semaphore_mem>>) src(%dma_wait3A_595 : memref<8x128xf32, #tpu.memory_space<hbm>>) dst(%dma_wait3A_594 : memref<8x128xf32, #tpu.memory_space<vmem>>)
    %and3A_596 = arith.constant 127 : i32
    %and3A_597 = arith.andi %reduce_min3A_390, %and3A_596 : i32
    %and3A_598 = arith.constant -16 : i32
    %and3A_599 = arith.andi %and3A_597, %and3A_598 : i32
    %multiple_of3A_600 = tpu.assume_multiple %and3A_599, 16 : i32
    %add3A_601 = arith.constant 2 : i32
    %add3A_602 = arith.addi %mul3A_36, %add3A_601 : i32
    %get3A_603 = arith.constant 2 : i32
    %get3A_604 = arith.index_cast %get3A_603 : i32 to index
    %get3A_605 = arith.index_cast %add3A_602 : i32 to index
    %get3A_606 = arith.index_cast %multiple_of3A_600 : i32 to index
    %get3A_607 = tpu.vector_load %arg6[%get3A_604, %get3A_605, %get3A_606] {strides = array<i32>} : memref<4x8x128xf32, #tpu.memory_space<vmem>>, vector<16xf32>,
    %and3A_608 = arith.constant 15 : i32
    %and3A_609 = arith.andi %and3A_597, %and3A_608 : i32
    %eq3A_610 = vector.broadcast %and3A_609 : i32 to vector<16xi32>
    %eq3A_611 = arith.cmpi eq, %iota3A, %eq3A_610 : vector<16xi32>
    %jit3A_612 = arith.constant 0.000000e+00 : f32
    %broadcast_in_dim3A_613 = vector.broadcast %jit3A_612 : f32 to vector<16xf32>
    %select_n3A_614 = arith.select %eq3A_611, %get3A_607, %broadcast_in_dim3A_613 : vector<16xi1>, vector<16xf32>
    %add3A_615 = arith.addf %add3A_584, %select_n3A_614 : vector<16xf32>
    %dma_wait3A_616 = arith.constant 3 : i32
    %dma_wait3A_617 = arith.constant 0 : i32
    %dma_wait3A_618 = arith.constant 0 : i32
    %dma_wait3A_619 = tpu.memref_slice %arg6[%dma_wait3A_616, %dma_wait3A_617, %dma_wait3A_618] : memref<4x8x128xf32, #tpu.memory_space<vmem>> -> memref<1x8x128xf32, #tpu.memory_space<vmem>>
    %dma_wait3A_620 = tpu.memref_squeeze %dma_wait3A_619 : memref<1x8x128xf32, #tpu.memory_space<vmem>> -> memref<8x128xf32, #tpu.memory_space<vmem>>
    %dma_wait3A_621 = tpu.memref_slice %arg3[%multiple_of3A, %multiple_of3A_510] : memref<128x8192xf32, #tpu.memory_space<hbm>> -> memref<8x128xf32, #tpu.memory_space<hbm>>
    %dma_wait3A_622 = arith.constant 0 : i32
    %dma_wait3A_623 = arith.constant 0 : i32
    %dma_wait3A_624 = tpu.memref_slice %arg6[%dma_wait3A_616, %dma_wait3A_622, %dma_wait3A_623] : memref<4x8x128xf32, #tpu.memory_space<vmem>> -> memref<1x8x128xf32, #tpu.memory_space<vmem>>
    %dma_wait3A_625 = tpu.memref_squeeze %dma_wait3A_624 : memref<1x8x128xf32, #tpu.memory_space<vmem>> -> memref<8x128xf32, #tpu.memory_space<vmem>>
    %dma_wait3A_626 = tpu.memref_slice %arg3[%multiple_of3A, %multiple_of3A_510] : memref<128x8192xf32, #tpu.memory_space<hbm>> -> memref<8x128xf32, #tpu.memory_space<hbm>>
    tpu.wait_dma2 semaphore(%arg8 : memref<!tpu.dma_semaphore, #tpu.memory_space<semaphore_mem>>) src(%dma_wait3A_626 : memref<8x128xf32, #tpu.memory_space<hbm>>) dst(%dma_wait3A_625 : memref<8x128xf32, #tpu.memory_space<vmem>>)
    %and3A_627 = arith.constant 127 : i32
    %and3A_628 = arith.andi %reduce_min3A_507, %and3A_627 : i32
    %and3A_629 = arith.constant -16 : i32
    %and3A_630 = arith.andi %and3A_628, %and3A_629 : i32
    %multiple_of3A_631 = tpu.assume_multiple %and3A_630, 16 : i32
    %add3A_632 = arith.constant 3 : i32
    %add3A_633 = arith.addi %mul3A_36, %add3A_632 : i32
    %get3A_634 = arith.constant 3 : i32
    %get3A_635 = arith.index_cast %get3A_634 : i32 to index
    %get3A_636 = arith.index_cast %add3A_633 : i32 to index
    %get3A_637 = arith.index_cast %multiple_of3A_631 : i32 to index
    %get3A_638 = tpu.vector_load %arg6[%get3A_635, %get3A_636, %get3A_637] {strides = array<i32>} : memref<4x8x128xf32, #tpu.memory_space<vmem>>, vector<16xf32>,
    %and3A_639 = arith.constant 15 : i32
    %and3A_640 = arith.andi %and3A_628, %and3A_639 : i32
    %eq3A_641 = vector.broadcast %and3A_640 : i32 to vector<16xi32>
    %eq3A_642 = arith.cmpi eq, %iota3A, %eq3A_641 : vector<16xi32>
    %jit3A_643 = arith.constant 0.000000e+00 : f32
    %broadcast_in_dim3A_644 = vector.broadcast %jit3A_643 : f32 to vector<16xf32>
    %select_n3A_645 = arith.select %eq3A_642, %get3A_638, %broadcast_in_dim3A_644 : vector<16xi1>, vector<16xf32>
    %add3A_646 = arith.addf %add3A_615, %select_n3A_645 : vector<16xf32>
    %swap3A = arith.constant 0 : index
    %swap3A_647 = tpu.vector_load %arg7[%swap3A] {strides = array<i32>} : memref<16xf32, #tpu.memory_space<vmem>>, vector<16xf32>,
    tpu.vector_store %arg7[%swap3A], %add3A_646 {strides = array<i32>} : memref<16xf32, #tpu.memory_space<vmem>>, vector<16xf32>,
    "tpu.region"() ({
      %run_scoped3A = tpu.sem_alloc : memref<!tpu.dma_semaphore, #tpu.memory_space<semaphore_mem>>
      %dma_start3A_648 = arith.constant 0 : i32
      %dma_start3A_649 = tpu.memref_slice %arg4[%add3A, %dma_start3A_648] : memref<32x16xf32, #tpu.memory_space<hbm>> -> memref<1x16xf32, #tpu.memory_space<hbm>>
      %dma_start3A_650 = tpu.memref_squeeze %dma_start3A_649 : memref<1x16xf32, #tpu.memory_space<hbm>> -> memref<16xf32, #tpu.memory_space<hbm>>
      %dma_start3A_651 = arith.constant 0 : i32
      %dma_start3A_652 = tpu.memref_slice %arg4[%add3A, %dma_start3A_651] : memref<32x16xf32, #tpu.memory_space<hbm>> -> memref<1x16xf32, #tpu.memory_space<hbm>>
      %dma_start3A_653 = tpu.memref_squeeze %dma_start3A_652 : memref<1x16xf32, #tpu.memory_space<hbm>> -> memref<16xf32, #tpu.memory_space<hbm>>
      tpu.enqueue_dma source(%arg7 : memref<16xf32, #tpu.memory_space<vmem>>) target(%dma_start3A_653 : memref<16xf32, #tpu.memory_space<hbm>>) target_semaphore(%run_scoped3A : memref<!tpu.dma_semaphore, #tpu.memory_space<semaphore_mem>>)
      %dma_wait3A_654 = arith.constant 0 : i32
      %dma_wait3A_655 = tpu.memref_slice %arg4[%add3A, %dma_wait3A_654] : memref<32x16xf32, #tpu.memory_space<hbm>> -> memref<1x16xf32, #tpu.memory_space<hbm>>
      %dma_wait3A_656 = tpu.memref_squeeze %dma_wait3A_655 : memref<1x16xf32, #tpu.memory_space<hbm>> -> memref<16xf32, #tpu.memory_space<hbm>>
      %dma_wait3A_657 = arith.constant 0 : i32
      %dma_wait3A_658 = tpu.memref_slice %arg4[%add3A, %dma_wait3A_657] : memref<32x16xf32, #tpu.memory_space<hbm>> -> memref<1x16xf32, #tpu.memory_space<hbm>>
      %dma_wait3A_659 = tpu.memref_squeeze %dma_wait3A_658 : memref<1x16xf32, #tpu.memory_space<hbm>> -> memref<16xf32, #tpu.memory_space<hbm>>
      tpu.wait_dma2 semaphore(%run_scoped3A : memref<!tpu.dma_semaphore, #tpu.memory_space<semaphore_mem>>) src(%arg7 : memref<16xf32, #tpu.memory_space<vmem>>) dst(%dma_wait3A_659 : memref<16xf32, #tpu.memory_space<hbm>>)
      tpu.yield
    }) : () -> ()
    return
  }
}

</mosaic_0001>

<sc_bundles>
// kernel: _sc_partials.3.cloned.1.call-start
scs
__scs_entry_jumppad:
0x0: {  	(pc) =	sbr.rel $0x88, $3  }
0x1: {  	(tag) =	ssettag $0x0;
	lr =	simm.s32 $0x1  }
0x2: {  	[smem:$0x3F9F] =	sst lr;
	_ =	strace $0xD0000000  }
0x3: {  	_ = 	snop  }
0x4: {  	_ = 	snop  }
0x5: {  	_ = 	snop  }
0x6: {  	_ = 	snop  }
0x7: {  	_ = 	snop  }
__scs_overlays_trampoline_lowered:
0x8: {  	[smem:$0x3FAE] =	sst s0  }
0x9: {  	[smem:$0x3FAF] =	sst s1  }
0xa: {  	[smem:$0x3FB0] =	sst s2  }
0xb: {  	[smem:$0x3FB1] =	sst s3  }
0xc: {  	[smem:$0x3FB2] =	sst s4  }
0xd: {  	[smem:$0x3FB3] =	sst s5  }
0xe: {  	[smem:$0x3FB4] =	sst s6  }
0xf: {  	[smem:$0x3FB5] =	sst s7  }
0x10: {  	[smem:$0x3FB6] =	sst s8  }
0x11: {  	[smem:$0x3FB7] =	sst s9;
	s0 =	simm.s32 @!p0 $0x0  }
0x12: {  	s1 =	sld [smem:$0x3F9D];
	s0 =	simm.s32 @p0 $0x1  }
0x13: {  	[smem:$0x3FB8] =	sst s0;
	s0 =	simm.s32 @!p1 $0x0  }
0x14: {  	s2 =	sld [smem:$0x3F9C];
	s0 =	simm.s32 @p1 $0x1  }
0x15: {  	[smem:$0x3FB9] =	sst s0;
	s0 =	simm.s32 @!p2 $0x0  }
0x16: {  	s3 =	sld [smem:$0x3FDB];
	s0 =	simm.s32 @p2 $0x1  }
0x17: {  	s4 =	simm.s32 $0x1BF5;
	[smem:$0x3FBB] =	sst s0  }
0x18: {  	s0 =	sld [smem:$0x3F9E];
	_ =	swait.ge [sflag:s4], $0x0  }
0x19: {  	s7 =	sld [smem:$0x3F9F]  }
0x1a: {  	s8 =	sadd.s32 $0xFFFFE003, lr  }
0x1b: {  	s9 =	sadd.s32 $0xFFFFFEF7, lr;
	s5 =	simm.s32 $0xFFFFFFFF;
	p2 =	slt.u32 s8, $0xFFFFF086  }
0x1c: {  	p1 =	slt.u32 s9, $0xF7A;
	s5 =	simm.s32 @!p2 $0x0  }
0x1d: {  	s5 =	simm.s32 @p1 $0x1;
	p0 =	seq.s32 s7, s2  }
0x1e: {  	s7 =	smul.u32 @!p0 $0xF7A, s2;
	p2 =	seq.s32 @!p0 s5, $0x0  }
0x1f: {  	s9 =	smul.u32 $0xF7A, s1;
	s8 =	simm.s32 @!p0 $0x1BF5;
	p2 =	por !p2, p0  }
0x20: {  	[sflag:s8] =	ssyncset.s32 @!p0 $0xFFFFF086;
	s6 =	sadd.s32 @!p0 s3, s7;
	s7 =	simm.s32 @!p0 $0x108  }
0x21: {  	s3 =	sadd.s32 s3, s9;
	s6 =	sadd.s32 @!p0 $0x88, s6;
	s7 =	simm.s32 @p2 $0x1082  }
0x22: {  	[simem:s7], [sflag:s8] =	dma.local @!p0 [hbm:s6], $0xF7A  }
0x23: {  	s9 =	sor.u32 $0xD0000000, s2;
	s6 =	simm.s32 $0x108;
	_ =	swait.ge @!p0 [sflag:s8], $0x0  }
0x24: {  	s3 =	sadd.s32 $0x88, s3;
	s6 =	simm.s32 @!p1 $0x1082;
	[sflag:s4] =	ssyncset.s32 $0xFFFFF086  }
0x25: {  	[simem:s6], [sflag:s4] =	dma.local [hbm:s3], $0xF7A  }
0x26: {  	[smem:$0x3F9F] =	sst s1;
	(tag) =	ssettag s2;
	_ =	strace s9  }
0x27: {  	s1 =	sld [smem:$0x3FAF]  }
0x28: {  	s2 =	sld [smem:$0x3FB0]  }
0x29: {  	s4 =	sld [smem:$0x3FB2]  }
0x2a: {  	p0 =	seq.s32 s5, $0x0;
	s5 =	sld [smem:$0x3FB3]  }
0x2b: {  	s6 =	sld [smem:$0x3FB4]  }
0x2c: {  	s7 =	sld [smem:$0x3FB5]  }
0x2d: {  	s3 =	simm.s32 $0x108;
	s8 =	sld [smem:$0x3FB6]  }
0x2e: {  	s3 =	simm.s32 @!p0 $0x1082;
	s9 =	sld [smem:$0x3FB7]  }
0x2f: {  	lr =	sadd.s32 s0, s3;
	s0 =	sld [smem:$0x3FAE]  }
0x30: {  	s3 =	sld [smem:$0x3FB1]  }
0x31: {  	[smem:$0x3FBA] =	sst s10  }
0x32: {  	s10 =	sld [smem:$0x3FB8];
	_ =	sdelay $0x3  }
0x33: {  	p0 =	seq.s32 s10, $0x1;
	s10 =	sld [smem:$0x3FBA];
	_ =	sdelay $0x3  }
0x34: {  	[smem:$0x3FBA] =	sst s10  }
0x35: {  	s10 =	sld [smem:$0x3FB9];
	_ =	sdelay $0x3  }
0x36: {  	p1 =	seq.s32 s10, $0x1;
	s10 =	sld [smem:$0x3FBA];
	_ =	sdelay $0x3  }
0x37: {  	[smem:$0x3FBA] =	sst s10  }
0x38: {  	s10 =	sld [smem:$0x3FBB]  }
0x39: {  	_ = 	snop;
	(pc) =	sbr.ind lr, $3  }
0x3a: {  	_ = 	snop  }
0x3b: {  	_ = 	snop  }
0x3c: {  	p2 =	seq.s32 s10, $0x1;
	s10 =	sld [smem:$0x3FBA]  }
0x3d: {  	_ =	shalt  }
0x3e: {  	_ =	shalt  }
0x3f: {  	_ =	shalt  }
0x40: {  	_ =	shalt  }
0x41: {  	_ =	shalt  }
0x42: {  	_ =	shalt  }
0x43: {  	_ =	shalt  }
0x44: {  	_ =	shalt  }
0x45: {  	_ =	shalt  }
0x46: {  	_ =	shalt  }
0x47: {  	_ =	shalt  }
0x48: {  	_ =	shalt  }
0x49: {  	_ =	shalt  }
0x4a: {  	_ =	shalt  }
0x4b: {  	_ =	shalt  }
0x4c: {  	_ =	shalt  }
0x4d: {  	_ =	shalt  }
0x4e: {  	_ =	shalt  }
0x4f: {  	_ =	shalt  }
0x50: {  	_ =	shalt  }
0x51: {  	_ =	shalt  }
0x52: {  	_ =	shalt  }
0x53: {  	_ =	shalt  }
0x54: {  	_ =	shalt  }
0x55: {  	_ =	shalt  }
0x56: {  	_ =	shalt  }
0x57: {  	_ =	shalt  }
0x58: {  	_ =	shalt  }
0x59: {  	_ =	shalt  }
0x5a: {  	_ =	shalt  }
0x5b: {  	_ =	shalt  }
0x5c: {  	_ =	shalt  }
0x5d: {  	_ =	shalt  }
0x5e: {  	_ =	shalt  }
0x5f: {  	_ =	shalt  }
0x60: {  	_ =	shalt  }
0x61: {  	_ =	shalt  }
0x62: {  	_ =	shalt  }
0x63: {  	_ =	shalt  }
0x64: {  	_ =	shalt  }
0x65: {  	_ =	shalt  }
0x66: {  	_ =	shalt  }
0x67: {  	_ =	shalt  }
0x68: {  	_ =	shalt  }
0x69: {  	_ =	shalt  }
0x6a: {  	_ =	shalt  }
0x6b: {  	_ =	shalt  }
0x6c: {  	_ =	shalt  }
0x6d: {  	_ =	shalt  }
0x6e: {  	_ =	shalt  }
0x6f: {  	_ =	shalt  }
0x70: {  	_ =	shalt  }
0x71: {  	_ =	shalt  }
0x72: {  	_ =	shalt  }
0x73: {  	_ =	shalt  }
0x74: {  	_ =	shalt  }
0x75: {  	_ =	shalt  }
0x76: {  	_ =	shalt  }
0x77: {  	_ =	shalt  }
0x78: {  	_ =	shalt  }
0x79: {  	_ =	shalt  }
0x7a: {  	_ =	shalt  }
0x7b: {  	_ =	shalt  }
0x7c: {  	_ =	shalt  }
0x7d: {  	_ =	shalt  }
0x7e: {  	_ =	shalt  }
0x7f: {  	_ =	shalt  }
0x80: {  	_ =	shalt  }
0x81: {  	_ =	shalt  }
0x82: {  	_ =	shalt  }
0x83: {  	_ =	shalt  }
0x84: {  	_ =	shalt  }
0x85: {  	_ =	shalt  }
0x86: {  	_ =	shalt  }
0x87: {  	_ =	shalt  }
.Lfunc_end0:
.L_simem_size_0:
called_computation_lowered:
.L_overlay_start_0:
0x88: {  	s2 =	sld [smem:$0x3FD9]  }
0x89: {  	s3 =	sld [smem:$0x3FFE];
	_ =	sdelay $0x1  }
0x8a: {  	s1 =	srdreg.scid  }
0x8b: {  	s0 =	sand.u32 $0x1, s1  }
0x8c: {  	s17 =	sshll.u32 s0, $0xA;
	s2 =	sadd.s32 s3, s2  }
0x8d: {  	s2 =	sadd.s32 s2, s17  }
0x8e: {  	[smem:$0x3FC6] =	sst s2  }
0x8f: {  	_ = 	snop  }
0x90: {  	s2 =	sld [smem:$0x3FC9]  }
0x91: {  	s18 =	sld [smem:$0x3FC8];
	(tm) =	ssettm $0x1  }
0x92: {  	s4 =	sld [smem:$0x3FFB];
	_ =	sdelay $0x3  }
0x93: {  	_ =	strace s4  }
0x94: {  	s4 =	sld [smem:$0x3FFC];
	_ =	sdelay $0x3  }
0x95: {  	_ =	strace s4  }
0x96: {  	s4 =	sld [smem:$0x3FFD];
	_ =	sdelay $0x3  }
0x97: {  	_ =	strace s4  }
0x98: {  	_ =	strace $0x8FFFFFFF  }
0x99: {  	s19 =	sld [smem:$0x3FDB];
	_ =	sdelay $0x1  }
0x9a: {  	s5 =	simm.s32 $_scs_section_size  }
0x9b: {  	s6 =	simm.s32 $_size__tile_overlayer_lowered;
	s7 =	simm.s32 $_tile_overlayer_lowered  }
0x9c: {  	s22 =	simm.s32 $0x1BFF;
	s21 =	sshll.u32 s7, $0x1;
	s4 =	sadd.s32 s5, s19  }
0x9d: {  	s8 =	simm.s32 $0x0;
	s20 =	sshll.u32 s6, $0x1;
	s6 =	sadd.s32 s21, s4  }
0x9e: {  	[timem:s8], [sflag:s22] =	dma.local [hbm:s6], s20  }
0x9f: {  	_ =	swait.ge [sflag:s22], s20  }
0xa0: {  	s5 =	ssub.s32 $0x0, s20;
	[sflag:s22] =	ssyncset.done $0x0  }
0xa1: {  	[sflag:s22] =	ssyncadd.s32 s5;
	_ =	sdelay $0x1  }
0xa2: {  	s23 =	simm.s32 $0x1B8B  }
0xa3: {  	_ =	swait.ge [sflag:s23], $0x1  }
0xa4: {  	[sflag:s23] =	ssyncset.done $0x0  }
0xa5: {  	s25 =	simm.s32 $0x1B8E;
	s24 =	sld [smem:$0x3FFE];
	[sflag:s23] =	ssyncadd.s32 $0xFFFFFFFF  }
0xa6: {  	s26 =	simm.s32 $execute0_lowered;
	[smem:$0x3FD2] =	sst s25  }
0xa7: {  	s6 =	sshll.u32 s26, $0x1;
	_ =	strace $0x80000046;
	[dreg:$0x1] =	wrdreg $0xFFFFFFFF  }
0xa8: {  	s28 =	simm.s32 $_size_execute0_lowered;
	s4 =	sadd.s32 s4, s6;
	[dreg:$0x0] =	wrdreg $0x0  }
0xa9: {  	s6 =	sshll.u32 s28, $0x1;
	[dreg:$0x2] =	wrdreg s4  }
0xaa: {  	[dreg:$0x3] =	wrdreg s6  }
0xab: {  	[dreg:$0x4] =	wrdreg $0xC0  }
0xac: {  	_ =	task [dreg:s8], $0x5FFFF  }
0xad: {  	[dreg:$0x1] =	wrdreg $0xFFFFFFFF  }
0xae: {  	[dreg:$0x0] =	wrdreg $0x60  }
0xaf: {  	[dreg:$0x2] =	wrdreg s2  }
0xb0: {  	[dreg:$0x3] =	wrdreg s18  }
0xb1: {  	[dreg:$0x4] =	wrdreg s24  }
0xb2: {  	[dreg:$0x5] =	wrdreg $0x9  }
0xb3: {  	_ =	task.clear_ibuf [dreg:s8], $0x6FFFF;
	_ =	strace $0x90000046  }
0xb4: {  	s29 =	simm.s32 $0x9;
	_ =	strace $0x80000048  }
0xb5: {  	_ =	swait.ge [sflag:s29], $0x1  }
0xb6: {  	[sflag:s29] =	ssyncadd.s32 $0xFFFFFFFF  }
0xb7: {  	_ =	strace $0x90000048  }
0xb8: {  	_ =	sfence  }
0xb9: {  	s30 =	sld [smem:$0x0];
	_ =	sdelay $0x2  }
0xba: {  	s31 =	sshll.u32 s1, $0xD;
	s1 =	sshrl.u32 s1, $0x2  }
0xbb: {  	s3 =	sand.u32 $0x4000, s31;
	s1 =	sadd.s32 s1, s30  }
0xbc: {  	s0 =	sor.u32 s3, s0;
	s1 =	sshll.u32 s1, $0x11  }
0xbd: {  	s0 =	sor.u32 s1, s0  }
0xbe: {  	s0 =	sadd.s32 $0x8F2B, s0  }
0xbf: {  	[sflag:s0] =	ssyncadd.remote.s32 $0x1  }
0xc0: {  	_ =	sfence.sel $0xFFFF  }
0xc1: {  	[dreg:$0x0] =	wrdreg $0xFFFFFFFF;
	(pc) =	sbr.abs _section_cstart, $3  }
0xc2: {  	[dreg:$0x1] =	wrdreg $0xFFFFFFFF  }
0xc3: {  	_ =	task.clear_ibuf [dreg:s8], $0x2FFFF;
	_ =	strace $0x9FFFFFFF  }
0xc4: {  	(tm) =	ssettm $0x7FFFFFFF  }
0xc5: {  	_ =	shalt  }
tec
execute0_lowered:
.L_overlay_start_1:
0x0: {  	(tag) =	ssettag $0x1  }
0x1: {  	s0 =	rddreg [dreg:$0x0]  }
0x2: {  	s2 =	rddreg [dreg:$0x1];
	s1 =	srdreg.scid  }
0x3: {  	s10 =	stileid.u32;
	s4 =	rddreg [dreg:$0x2]  }
0x4: {  	s3 =	simm.s32 $0x0;
	s13 =	simm.s32 $0x2;
	s16 =	simm.s32 $0x9000  }
0x5: {  	s17 =	simm.s32 $0x0;
	s1 =	sand.u32 $0x1, s1;
	s5 =	sshll.u32 s10, $0x1  }
0x6: {  	[smem:$0x7FF] =	sst s3;
	s29 =	sshll.u32 s10, $0xD;
	s5 =	sor.u32 s1, s5  }
0x7: {  	s7 =	ssub.s32 $0x2, s1;
	_ =	strace $0x80000047;
	p1 =	seq.s32 s1, $0x1  }
0x8: {  	s28 =	sshll.u32 s1, $0x6;
	s1 =	sshll.u32 s1, $0x9;
	s6 =	sshll.u32 s5, $0x4  }
0x9: {  	s26 =	sshrl.u32 s7, $0x1;
	p0 =	seq.s32 s5, $0x0;
	s5 =	sor.u32 s28, s29  }
0xa: {  	s31 =	sor.u32 $0x8000, s1;
	s8 =	sadd.s32 s6, s4;
	p0 =	por !p0, !p1  }
0xb: {  	v0 =	vlaneseq.u32;
	s9 =	ssub.s32 s7, s26;
	s6 =	simm.s32 $0x1;
	p0 =	por !p0, !p0  }
0xc: {  	v1 =	vor.u32 $0x400, v0;
	v2 =	vor.u32 $0x800, v0;
	s4 =	simm.s32 $0x1;
	s5 =	sadd.s32 s0, s5;
	s6 =	simm.s32 @!p0 $0x0  }
0xd: {  	v3 =	vor.u32 $0xC00, v0;
	v4 =	vor.u32 $0x1000, v0;
	v5 =	vor.u32 $0x1400, v0;
	s8 =	sadd.s32 $0x400, s8;
	s9 =	smax.u32 s9, $0x1;
	s30 =	ssub.s32 s10, s6  }
0xe: {  	v6 =	vor.u32 $0x1800, v0;
	v7 =	vor.u32 $0x1C00, v0;
	v8 =	vmov s31;
	s6 =	sadd.s32 $0x20, s5;
	s10 =	simm.s32 $0x3;
	s7 =	sshll.u32 s30, $0x10  }
.LBB2_1:
0xf: {  	s0 =	simm.s32 $0x80  }
0x10: {  	s18 =	sadd.s32 $0x0, s5;
	s1 =	simm.s32 $0x200;
	s11 =	simm.s32 $0x0  }
.LBB2_2:
0x11: {  	[tilespmem:s11], [sflag:$0x3] =	stream.linear.gather [hbm4b:s18+s3], $0x100, $0x38;
	[tilespmem:$0x9080] =	vst v63  }
0x12: {  	s18 =	smov.u32 s0;
	s11 =	smov.u32 s1;
	p0 =	sne.s32 s0, $0x1F80  }
.Ltmp0:
0x13: {  	s0 =	sadd.s32 $0x80, s0;
	(pc) =	sbr.rel @p0 .LBB2_2-.Ltmp0, $2  }
0x14: {  	_ =	sdelay $0x2  }
0x15: {  	s1 =	sadd.s32 $0x200, s1;
	s18 =	sadd.s32 s18, s5  }
0x16: {  	[tilespmem:s11], [sflag:$0x3] =	stream.linear.gather [hbm4b:s18+s3], $0x100, $0x38;
	[tilespmem:$0x9080] =	vst v63  }
0x17: {  	_ =	swait.ge [sflag:s10], $0x4000  }
0x18: {  	s19 =	simm.s32 $0x0;
	[sflag:s10] =	ssyncset.done $0x0  }
0x19: {  	s0 =	simm.s32 $0x100;
	s1 =	simm.s32 $0x0;
	[sflag:s10] =	ssyncadd.s32 $0xFFFFC000  }
.LBB2_4:
0x1a: {  	p0 =	sne.s32 s1, $0x1F80  }
.Ltmp1:
0x1b: {  	_ = 	snop;
	(pc) =	sbr.rel @p0 .LBB2_4-.Ltmp1, $4  }
0x1c: {  	_ = 	snop  }
0x1d: {  	s11 =	sadd.s32 s1, s6  }
0x1e: {  	[tilespmem:s0], [sflag:$0x2] =	stream.linear.gather [hbm4b:s11+s19], $0x100, $0x38;
	[tilespmem:$0x9080] =	vst v63  }
0x1f: {  	s1 =	sadd.s32 $0x80, s1;
	s0 =	sadd.s32 $0x200, s0  }
0x20: {  	s0 =	simm.s32 $0x0  }
0x21: {  	s1 =	sand.u32 $0xE00, s19;
	s0 =	sand.u32 $0x60, s0  }
0x22: {  	s21 =	simm.s32 $0x410;
	s15 =	simm.s32 $0x810;
	s18 =	sor.u32 s0, s1  }
0x23: {  	s22 =	simm.s32 $0x2040;
	s23 =	simm.s32 $0xC10;
	s24 =	simm.s32 $0x3040;
	v32 =	vld [tilespmem:s18+$0x0]  }
0x24: {  	s14 =	sand.u32 $0x70, s21;
	s21 =	sand.u32 $0x70, s15;
	s22 =	sand.u32 $0x2E00, s22;
	v34 =	vld [tilespmem:s18+$0x1000]  }
0x25: {  	s26 =	sand.u32 $0x70, s23;
	s28 =	sand.u32 $0x3E00, s24;
	s25 =	sor.u32 s21, s22;
	v29 =	vld [tilespmem:s18+$0x10]  }
0x26: {  	s29 =	sor.u32 s26, s28;
	v21 =	vld [tilespmem:s25+$0x0]  }
0x27: {  	v25 =	vimm.f32 $-Inf;
	v9 =	vimm.s32 $0x0;
	s1 =	simm.s32 $0x1040;
	v26 =	vld [tilespmem:s29+$0x0]  }
0x28: {  	s20 =	simm.s32 $0x1C10;
	s11 =	simm.s32 $0x7040;
	v27 =	vimm.f32 $-Inf;
	v28 =	vimm.s32 $0x0;
	v37 =	vimm.s32 $0x0;
	s0 =	sand.u32 $0x1E00, s1;
	v31 =	vld [tilespmem:s18+$0x2000]  }
0x29: {  	v23 =	vimm.f32 $-Inf;
	v24 =	vimm.f32 $-Inf;
	v22 =	vimm.f32 $-Inf;
	s12 =	sand.u32 $0x70, s20;
	s11 =	sand.u32 $0x7E00, s11;
	v35 =	vld [tilespmem:s18+$0x3000];
	s0 =	sor.u32 s14, s0  }
0x2a: {  	s30 =	simm.s32 $0x1010;
	s31 =	simm.s32 $0x4040;
	v20 =	vimm.f32 $-Inf;
	v18 =	vimm.f32 $-Inf;
	v19 =	vimm.f32 $-Inf;
	s1 =	sor.u32 s12, s11;
	v30 =	vld [tilespmem:s0+$0x0]  }
0x2b: {  	v17 =	vimm.s32 $0x0;
	v15 =	vimm.s32 $0x0;
	v16 =	vimm.s32 $0x0;
	v11 =	vld [tilespmem:s1+$0x0];
	s1 =	sand.u32 $0x4E00, s31;
	s0 =	sand.u32 $0x70, s30  }
0x2c: {  	v13 =	vimm.s32 $0x0;
	v14 =	vimm.s32 $0x0;
	v12 =	vimm.s32 $0x0;
	v36 =	vld [tilespmem:s18+$0x4000];
	s0 =	sor.u32 s0, s1  }
0x2d: {  	v10 =	vor.u32 $0x1, v9;
	s21 =	simm.s32 $0x1C30;
	s22 =	simm.s32 $0x80;
	v33 =	vld [tilespmem:s0+$0x0];
	s0 =	simm.s32 $0x5040;
	vm1 =	vgt.f32 v32, v25;
	vm0 =	vgt.f32 v34, v25  }
.LBB2_6:
0x2e: {  	p0 =	sne.s32 s22, $0xF80;
	v25 =	vsel vm1, v32, v25;
	v27 =	vsel vm0, v34, v27;
	v28 =	vsel vm0, v9, v28;
	v32 =	vld [tilespmem:s18+$0x5000];
	s1 =	sadd.s32 $0xFFFFF800, s20;
	s11 =	sadd.s32 $0x6040, s19  }
0x2f: {  	v37 =	vsel vm1, v9, v37;
	s0 =	sand.u32 $0x5E00, s0;
	s19 =	sadd.s32 $0xFFFFFC00, s20;
	v34 =	vld [tilespmem:s18+$0x6000];
	vm0 =	vgt.f32 v29, v25;
	vm1 =	vgt.f32 v30, v27;
	s1 =	sand.u32 $0x70, s1  }
0x30: {  	s11 =	sand.u32 $0x6E00, s11;
	v38 =	vld [tilespmem:s18+$0x7000];
	v25 =	vsel vm0, v29, v25;
	v27 =	vsel vm1, v30, v27;
	v28 =	vsel vm1, v10, v28;
	s0 =	sor.u32 s1, s0;
	s1 =	sand.u32 $0x70, s19  }
0x31: {  	s18 =	sadd.s32 $0x1040, s22;
	s19 =	sadd.s32 $0x2040, s22;
	vm1 =	vgt.f32 v31, v23;
	vm2 =	vgt.f32 v35, v24;
	vm3 =	vgt.f32 v36, v22;
	v39 =	vld [tilespmem:s0+$0x0];
	s0 =	sor.u32 s1, s11  }
0x32: {  	s20 =	sadd.s32 $0x7040, s22;
	s1 =	sand.u32 $0xE00, s22;
	s11 =	sand.u32 $0x70, s21;
	v23 =	vsel vm1, v31, v23;
	v24 =	vsel vm2, v35, v24;
	v22 =	vsel vm3, v36, v22;
	v31 =	vld [tilespmem:s0+$0x0]  }
0x33: {  	s23 =	sadd.s32 $0xFFFFE800, s21;
	s20 =	sand.u32 $0x7E00, s20;
	s0 =	sadd.s32 $0xFFFFE3F0, s21;
	vm4 =	vgt.f32 v21, v23;
	vm5 =	vgt.f32 v26, v24;
	vm6 =	vgt.f32 v33, v22  }
0x34: {  	s24 =	sand.u32 $0x1E00, s18;
	s11 =	sor.u32 s11, s20;
	s0 =	sand.u32 $0x60, s0;
	v23 =	vsel vm4, v21, v23;
	v24 =	vsel vm5, v26, v24;
	v22 =	vsel vm6, v33, v22  }
0x35: {  	vm7 =	vgt.f32 v32, v20;
	s18 =	sor.u32 s0, s1;
	s0 =	sand.u32 $0x70, s23;
	s1 =	sadd.s32 $0xFFFFEC00, s21;
	vm8 =	vgt.f32 v34, v18;
	v26 =	vld [tilespmem:s11+$0x0];
	vm9 =	vgt.f32 v38, v19  }
0x36: {  	v20 =	vsel vm7, v32, v20;
	s0 =	sor.u32 s0, s24;
	s1 =	sand.u32 $0x70, s1;
	s11 =	sand.u32 $0x2E00, s19;
	v18 =	vsel vm8, v34, v18;
	v29 =	vld [tilespmem:s18+$0x10];
	v19 =	vsel vm9, v38, v19  }
0x37: {  	s20 =	smov.u32 s21;
	s19 =	smov.u32 s22;
	vm10 =	vgt.f32 v39, v20;
	v30 =	vld [tilespmem:s0+$0x0];
	s0 =	sor.u32 s1, s11;
	vm11 =	vgt.f32 v31, v18;
	vm12 =	vgt.f32 v11, v19  }
0x38: {  	s1 =	sadd.s32 $0x3040, s22;
	v20 =	vsel vm10, v39, v20;
	v21 =	vld [tilespmem:s0+$0x0];
	s0 =	sadd.s32 $0xFFFFF000, s21;
	v18 =	vsel vm11, v31, v18;
	v19 =	vsel vm12, v11, v19  }
0x39: {  	v15 =	vsel vm8, v9, v15;
	v16 =	vsel vm9, v9, v16;
	s1 =	sand.u32 $0x3E00, s1;
	v31 =	vsel vm7, v9, v17;
	v32 =	vld [tilespmem:s18+$0x0];
	s0 =	sand.u32 $0x70, s0  }
0x3a: {  	v15 =	vsel vm11, v10, v15;
	v16 =	vsel vm12, v10, v16;
	v17 =	vsel vm10, v10, v31;
	v34 =	vld [tilespmem:s18+$0x1000];
	s0 =	sor.u32 s0, s1;
	v11 =	vmovc v26  }
.Ltmp2:
0x3b: {  	v13 =	vsel vm1, v9, v13;
	v14 =	vsel vm2, v9, v14;
	v12 =	vsel vm3, v9, v12;
	v26 =	vld [tilespmem:s0+$0x0];
	(pc) =	sbr.rel @p0 .LBB2_6-.Ltmp2, $4  }
0x3c: {  	v13 =	vsel vm4, v10, v13;
	v14 =	vsel vm5, v10, v14;
	v12 =	vsel vm6, v10, v12;
	s1 =	sadd.s32 $0x4040, s22;
	s0 =	sadd.s32 $0xFFFFF400, s21;
	v31 =	vld [tilespmem:s18+$0x2000]  }
0x3d: {  	v37 =	vsel vm0, v10, v37;
	s1 =	sand.u32 $0x4E00, s1;
	s0 =	sand.u32 $0x70, s0;
	v35 =	vld [tilespmem:s18+$0x3000]  }
0x3e: {  	v9 =	vadd.s32 $0x2, v9;
	s0 =	sor.u32 s0, s1;
	v36 =	vld [tilespmem:s18+$0x4000]  }
0x3f: {  	v10 =	vor.u32 $0x1, v9;
	s22 =	sadd.s32 $0x80, s22;
	s21 =	sadd.s32 $0x20, s21;
	vm1 =	vgt.f32 v32, v25;
	vm0 =	vgt.f32 v34, v27;
	v33 =	vld [tilespmem:s0+$0x0];
	s0 =	sadd.s32 $0x5040, s19  }
0x40: {  	v25 =	vsel vm1, v32, v25;
	v27 =	vsel vm0, v34, v27  }
0x41: {  	v28 =	vsel vm0, v9, v28;
	v63 =	vsel vm1, v9, v37;
	vm0 =	vgt.f32 v29, v25  }
0x42: {  	vm2 =	vgt.f32 v30, v27;
	vm1 =	vgt.f32 v31, v23;
	v25 =	vsel vm0, v29, v25  }
0x43: {  	v62 =	vld [tilespmem:s18+$0x5000];
	v27 =	vsel vm2, v30, v27;
	v28 =	vsel vm2, v10, v28;
	vm2 =	vgt.f32 v35, v24  }
0x44: {  	s1 =	sadd.s32 $0xFFFFF800, s20;
	s0 =	sand.u32 $0x5E00, s0;
	v29 =	vld [tilespmem:s18+$0x6000];
	v23 =	vsel vm1, v31, v23;
	v13 =	vsel vm1, v9, v13;
	vm3 =	vgt.f32 v36, v22  }
0x45: {  	s11 =	sadd.s32 $0x6040, s19;
	s21 =	sadd.s32 $0xFFFFFC00, s20;
	s1 =	sand.u32 $0x70, s1;
	v30 =	vld [tilespmem:s18+$0x7000];
	v24 =	vsel vm2, v35, v24;
	vm7 =	vgt.f32 v21, v23;
	vm4 =	vgt.f32 v27, v25  }
0x46: {  	s22 =	sand.u32 $0x70, s21;
	s11 =	sand.u32 $0x6E00, s11;
	s0 =	sor.u32 s1, s0;
	v22 =	vsel vm3, v36, v22;
	vm5 =	vgt.f32 v26, v24;
	v21 =	vsel vm7, v21, v23  }
0x47: {  	s23 =	sor.u32 s22, s11;
	v31 =	vld [tilespmem:s0+$0x0];
	vm8 =	vgt.f32 v33, v22;
	v23 =	vsel vm5, v26, v24;
	v24 =	vsel vm4, v27, v25  }
0x48: {  	v25 =	vld [tilespmem:s23+$0x0];
	vm10 =	vgt.f32 v62, v20;
	v22 =	vsel vm8, v33, v22;
	vm6 =	vgt.f32 v21, v24  }
0x49: {  	v20 =	vsel vm10, v62, v20;
	v17 =	vsel vm10, v9, v17;
	v21 =	vsel vm6, v21, v24  }
0x4a: {  	vm11 =	vgt.f32 v29, v18;
	vm12 =	vgt.f32 v30, v19;
	vm9 =	vgt.f32 v23, v21  }
0x4b: {  	v18 =	vsel vm11, v29, v18;
	v19 =	vsel vm12, v30, v19;
	v21 =	vsel vm9, v23, v21  }
0x4c: {  	vm13 =	vgt.f32 v31, v20;
	v16 =	vsel vm12, v9, v16;
	vm10 =	vgt.f32 v22, v21  }
0x4d: {  	v20 =	vsel vm13, v31, v20;
	vm12 =	vgt.f32 v25, v18;
	v21 =	vsel vm10, v22, v21  }
0x4e: {  	v15 =	vsel vm11, v9, v15;
	v18 =	vsel vm12, v25, v18;
	vm11 =	vgt.f32 v20, v21  }
0x4f: {  	v15 =	vsel vm12, v10, v15;
	vm12 =	vgt.f32 v11, v19;
	v20 =	vsel vm11, v20, v21  }
0x50: {  	v11 =	vsel vm12, v11, v19;
	v16 =	vsel vm12, v10, v16;
	vm12 =	vgt.f32 v18, v20  }
0x51: {  	v14 =	vsel vm2, v9, v14;
	v9 =	vsel vm3, v9, v12;
	v18 =	vsel vm12, v18, v20  }
0x52: {  	v12 =	vsel vm7, v10, v13;
	v13 =	vsel vm5, v10, v14;
	vm1 =	vgt.f32 v11, v18  }
0x53: {  	v14 =	vsel vm0, v10, v63;
	v17 =	vsel vm13, v10, v17;
	v11 =	vsel vm1, v11, v18  }
0x54: {  	v9 =	vsel vm8, v10, v9;
	v10 =	vshll.u32 v14, $0x4;
	v14 =	vshll.u32 v28, $0x4;
	(xrf0) =	vmax.scan.msk.f32 $0xffff, v11  }
0x55: {  	v12 =	vshll.u32 v12, $0x4;
	v10 =	vor.u32 v0, v10;
	v14 =	vadd.s32 v1, v14  }
0x56: {  	v13 =	vshll.u32 v13, $0x4;
	v12 =	vadd.s32 v2, v12;
	v10 =	vsel vm4, v14, v10  }
0x57: {  	v9 =	vshll.u32 v9, $0x4;
	v10 =	vsel vm6, v12, v10;
	v12 =	vadd.s32 v3, v13  }
0x58: {  	v9 =	vadd.s32 v4, v9;
	v10 =	vsel vm9, v12, v10;
	v12 =	vshll.u32 v17, $0x4  }
0x59: {  	v9 =	vsel vm10, v9, v10;
	v10 =	vadd.s32 v5, v12;
	v12 =	vshll.u32 v15, $0x4  }
0x5a: {  	v9 =	vsel vm11, v10, v9;
	v10 =	vadd.s32 v6, v12;
	v12 =	vshll.u32 v16, $0x4;
	v13, _, _ =	vpop (xrf0)  }
0x5b: {  	v9 =	vsel vm12, v10, v9;
	v10 =	vadd.s32 v7, v12;
	v12 =	vbroadcast v13, $0xF  }
0x5c: {  	v9 =	vsel vm1, v10, v9  }
0x5d: {  	v9 =	vxor.u32 $0x80000000, v9;
	vm0 =	veq.f32 v11, v12  }
0x5e: {  	v9 =	vnsel vm0, $0xC0000000, v9  }
0x5f: {  	(xrf0) =	vmin.scan.msk.u32 $0xffff, v9;
	_ =	sdelay $0x5  }
0x60: {  	v9, _, _ =	vpop (xrf0)  }
0x61: {  	(v2sf) =	vpush v9, $0xF;
	_ =	sdelay $0xd  }
0x62: {  	s25 =	simm.s32 $0x8000;
	s26 =	simm.s32 $0x0  }
0x63: {  	s20 =	simm.s32 $0x1C10;
	s31 =	simm.s32 $0x7040;
	s18 =	spop (v2sf)  }
0x64: {  	s14 =	simm.s32 $0x810;
	s21 =	simm.s32 $0x0;
	s24 =	sshll.u32 s18, $0x3  }
0x65: {  	s30 =	sand.u32 $0x70, s20;
	s15 =	sand.u32 $0x70, s14;
	s0 =	sand.u32 $0x7FFFFC00, s24  }
0x66: {  	s22 =	simm.s32 $0x410;
	s11 =	sand.u32 $0x7E00, s31;
	s0 =	sadd.s32 s7, s0  }
0x67: {  	s1 =	sor.u32 s30, s11;
	s23 =	simm.s32 $0x2040;
	s0 =	sshrl.u32 s0, $0x3  }
0x68: {  	s12 =	sand.u32 $0x70, s22;
	s22 =	sand.u32 $0x2E00, s23;
	s0 =	sadd.s32 s2, s0  }
0x69: {  	[tilespmem:s25], [sflag:$0x1] =	stream.linear.gather [hbm4b:s0+s21], $0x400, $0x38;
	[tilespmem:$0x9080] =	vst v63  }
0x6a: {  	s28 =	sand.u32 $0xE00, s21;
	s0 =	sand.u32 $0x60, s26;
	s25 =	sor.u32 s15, s22;
	v11 =	vld [tilespmem:s1+$0x80]  }
0x6b: {  	s19 =	sor.u32 s0, s28;
	v21 =	vld [tilespmem:s25+$0x80]  }
0x6c: {  	v32 =	vld [tilespmem:s19+$0x80]  }
0x6d: {  	v34 =	vld [tilespmem:s19+$0x1080]  }
0x6e: {  	s29 =	simm.s32 $0x1040;
	v37 =	vimm.s32 $0x0;
	v27 =	vimm.f32 $-Inf;
	v29 =	vld [tilespmem:s19+$0x90]  }
0x6f: {  	s31 =	simm.s32 $0x4040;
	v24 =	vimm.f32 $-Inf;
	v23 =	vimm.f32 $-Inf;
	v25 =	vimm.f32 $-Inf;
	s0 =	sand.u32 $0x1E00, s29;
	v31 =	vld [tilespmem:s19+$0x2080]  }
0x70: {  	s23 =	simm.s32 $0xC10;
	v22 =	vimm.f32 $-Inf;
	v28 =	vimm.s32 $0x0;
	v19 =	vimm.f32 $-Inf;
	s24 =	simm.s32 $0x3040;
	s0 =	sor.u32 s12, s0;
	v35 =	vld [tilespmem:s19+$0x3080]  }
0x71: {  	s30 =	simm.s32 $0x1010;
	v14 =	vimm.s32 $0x0;
	v20 =	vimm.f32 $-Inf;
	v17 =	vimm.s32 $0x0;
	s26 =	sand.u32 $0x70, s23;
	s28 =	sand.u32 $0x3E00, s24;
	v30 =	vld [tilespmem:s0+$0x80]  }
0x72: {  	v18 =	vimm.f32 $-Inf;
	v15 =	vimm.s32 $0x0;
	v16 =	vimm.s32 $0x0;
	s1 =	sand.u32 $0x4E00, s31;
	s29 =	sor.u32 s26, s28;
	v36 =	vld [tilespmem:s19+$0x4080];
	s0 =	sand.u32 $0x70, s30  }
0x73: {  	v13 =	vimm.s32 $0x0;
	v12 =	vimm.s32 $0x0;
	v9 =	vimm.s32 $0x0;
	v26 =	vld [tilespmem:s29+$0x80];
	s0 =	sor.u32 s0, s1  }
0x74: {  	v10 =	vor.u32 $0x1, v9;
	s22 =	simm.s32 $0x1C30;
	s23 =	simm.s32 $0x80;
	v33 =	vld [tilespmem:s0+$0x80];
	s0 =	simm.s32 $0x5040;
	vm1 =	vgt.f32 v32, v25;
	vm0 =	vgt.f32 v34, v25  }
.LBB2_8:
0x75: {  	p0 =	sne.s32 s23, $0xF80;
	v25 =	vsel vm1, v32, v25;
	v27 =	vsel vm0, v34, v27;
	v28 =	vsel vm0, v9, v28;
	v32 =	vld [tilespmem:s19+$0x5080];
	s1 =	sadd.s32 $0xFFFFF800, s20;
	s11 =	sadd.s32 $0x6040, s21  }
0x76: {  	v37 =	vsel vm1, v9, v37;
	s0 =	sand.u32 $0x5E00, s0;
	s20 =	sadd.s32 $0xFFFFFC00, s20;
	v34 =	vld [tilespmem:s19+$0x6080];
	vm0 =	vgt.f32 v29, v25;
	vm1 =	vgt.f32 v30, v27;
	s1 =	sand.u32 $0x70, s1  }
0x77: {  	s11 =	sand.u32 $0x6E00, s11;
	v38 =	vld [tilespmem:s19+$0x7080];
	v25 =	vsel vm0, v29, v25;
	v27 =	vsel vm1, v30, v27;
	v28 =	vsel vm1, v10, v28;
	s0 =	sor.u32 s1, s0;
	s1 =	sand.u32 $0x70, s20  }
0x78: {  	s19 =	sadd.s32 $0x1040, s23;
	s20 =	sadd.s32 $0x2040, s23;
	vm1 =	vgt.f32 v31, v23;
	vm2 =	vgt.f32 v35, v24;
	vm3 =	vgt.f32 v36, v22;
	v39 =	vld [tilespmem:s0+$0x80];
	s0 =	sor.u32 s1, s11  }
0x79: {  	s21 =	sadd.s32 $0x7040, s23;
	s1 =	sand.u32 $0xE00, s23;
	s11 =	sand.u32 $0x70, s22;
	v23 =	vsel vm1, v31, v23;
	v24 =	vsel vm2, v35, v24;
	v22 =	vsel vm3, v36, v22;
	v31 =	vld [tilespmem:s0+$0x80]  }
0x7a: {  	s24 =	sadd.s32 $0xFFFFE800, s22;
	s21 =	sand.u32 $0x7E00, s21;
	s0 =	sadd.s32 $0xFFFFE3F0, s22;
	vm4 =	vgt.f32 v21, v23;
	vm5 =	vgt.f32 v26, v24;
	vm6 =	vgt.f32 v33, v22  }
0x7b: {  	s25 =	sand.u32 $0x1E00, s19;
	s11 =	sor.u32 s11, s21;
	s0 =	sand.u32 $0x60, s0;
	v23 =	vsel vm4, v21, v23;
	v24 =	vsel vm5, v26, v24;
	v22 =	vsel vm6, v33, v22  }
0x7c: {  	vm7 =	vgt.f32 v32, v20;
	s19 =	sor.u32 s0, s1;
	s0 =	sand.u32 $0x70, s24;
	s1 =	sadd.s32 $0xFFFFEC00, s22;
	vm8 =	vgt.f32 v34, v18;
	v26 =	vld [tilespmem:s11+$0x80];
	vm9 =	vgt.f32 v38, v19  }
0x7d: {  	v20 =	vsel vm7, v32, v20;
	s0 =	sor.u32 s0, s25;
	s1 =	sand.u32 $0x70, s1;
	s11 =	sand.u32 $0x2E00, s20;
	v18 =	vsel vm8, v34, v18;
	v29 =	vld [tilespmem:s19+$0x90];
	v19 =	vsel vm9, v38, v19  }
0x7e: {  	s21 =	smov.u32 s23;
	s20 =	smov.u32 s22;
	vm10 =	vgt.f32 v39, v20;
	v30 =	vld [tilespmem:s0+$0x80];
	s0 =	sor.u32 s1, s11;
	vm11 =	vgt.f32 v31, v18;
	vm12 =	vgt.f32 v11, v19  }
0x7f: {  	s1 =	sadd.s32 $0x3040, s23;
	v20 =	vsel vm10, v39, v20;
	v21 =	vld [tilespmem:s0+$0x80];
	s0 =	sadd.s32 $0xFFFFF000, s22;
	v18 =	vsel vm11, v31, v18;
	v19 =	vsel vm12, v11, v19  }
0x80: {  	v15 =	vsel vm8, v9, v15;
	v16 =	vsel vm9, v9, v16;
	s1 =	sand.u32 $0x3E00, s1;
	v31 =	vsel vm7, v9, v17;
	v32 =	vld [tilespmem:s19+$0x80];
	s0 =	sand.u32 $0x70, s0  }
0x81: {  	v15 =	vsel vm11, v10, v15;
	v16 =	vsel vm12, v10, v16;
	v17 =	vsel vm10, v10, v31;
	v34 =	vld [tilespmem:s19+$0x1080];
	s0 =	sor.u32 s0, s1;
	v11 =	vmovc v26  }
.Ltmp3:
0x82: {  	v13 =	vsel vm1, v9, v13;
	v14 =	vsel vm2, v9, v14;
	v12 =	vsel vm3, v9, v12;
	v26 =	vld [tilespmem:s0+$0x80];
	(pc) =	sbr.rel @p0 .LBB2_8-.Ltmp3, $4  }
0x83: {  	v13 =	vsel vm4, v10, v13;
	v14 =	vsel vm5, v10, v14;
	v12 =	vsel vm6, v10, v12;
	s1 =	sadd.s32 $0x4040, s23;
	s0 =	sadd.s32 $0xFFFFF400, s22;
	v31 =	vld [tilespmem:s19+$0x2080]  }
0x84: {  	v37 =	vsel vm0, v10, v37;
	s1 =	sand.u32 $0x4E00, s1;
	s0 =	sand.u32 $0x70, s0;
	v35 =	vld [tilespmem:s19+$0x3080]  }
0x85: {  	v9 =	vadd.s32 $0x2, v9;
	s0 =	sor.u32 s0, s1;
	v36 =	vld [tilespmem:s19+$0x4080]  }
0x86: {  	v10 =	vor.u32 $0x1, v9;
	s23 =	sadd.s32 $0x80, s23;
	s22 =	sadd.s32 $0x20, s22;
	vm1 =	vgt.f32 v32, v25;
	vm0 =	vgt.f32 v34, v27;
	v33 =	vld [tilespmem:s0+$0x80];
	s0 =	sadd.s32 $0x5040, s21  }
0x87: {  	v25 =	vsel vm1, v32, v25;
	v27 =	vsel vm0, v34, v27  }
0x88: {  	v28 =	vsel vm0, v9, v28;
	v63 =	vsel vm1, v9, v37;
	vm0 =	vgt.f32 v29, v25  }
0x89: {  	vm2 =	vgt.f32 v30, v27;
	vm1 =	vgt.f32 v31, v23;
	v25 =	vsel vm0, v29, v25  }
0x8a: {  	v62 =	vld [tilespmem:s19+$0x5080];
	v27 =	vsel vm2, v30, v27;
	v28 =	vsel vm2, v10, v28;
	vm2 =	vgt.f32 v35, v24  }
0x8b: {  	s1 =	sadd.s32 $0xFFFFF800, s20;
	s0 =	sand.u32 $0x5E00, s0;
	v29 =	vld [tilespmem:s19+$0x6080];
	v23 =	vsel vm1, v31, v23;
	v13 =	vsel vm1, v9, v13;
	vm3 =	vgt.f32 v36, v22  }
0x8c: {  	s11 =	sadd.s32 $0x6040, s21;
	s15 =	sadd.s32 $0xFFFFFC00, s20;
	s1 =	sand.u32 $0x70, s1;
	v30 =	vld [tilespmem:s19+$0x7080];
	v24 =	vsel vm2, v35, v24;
	vm7 =	vgt.f32 v21, v23;
	vm4 =	vgt.f32 v27, v25  }
0x8d: {  	s20 =	sand.u32 $0x70, s15;
	s11 =	sand.u32 $0x6E00, s11;
	s0 =	sor.u32 s1, s0;
	v22 =	vsel vm3, v36, v22;
	vm5 =	vgt.f32 v26, v24;
	v21 =	vsel vm7, v21, v23  }
0x8e: {  	s21 =	sor.u32 s20, s11;
	v31 =	vld [tilespmem:s0+$0x80];
	vm8 =	vgt.f32 v33, v22;
	v23 =	vsel vm5, v26, v24;
	v24 =	vsel vm4, v27, v25  }
0x8f: {  	v25 =	vld [tilespmem:s21+$0x80];
	vm10 =	vgt.f32 v62, v20;
	v22 =	vsel vm8, v33, v22;
	vm6 =	vgt.f32 v21, v24  }
0x90: {  	v20 =	vsel vm10, v62, v20;
	v17 =	vsel vm10, v9, v17;
	v21 =	vsel vm6, v21, v24  }
0x91: {  	vm11 =	vgt.f32 v29, v18;
	vm12 =	vgt.f32 v30, v19;
	vm9 =	vgt.f32 v23, v21  }
0x92: {  	v18 =	vsel vm11, v29, v18;
	v19 =	vsel vm12, v30, v19;
	v21 =	vsel vm9, v23, v21  }
0x93: {  	vm13 =	vgt.f32 v31, v20;
	v16 =	vsel vm12, v9, v16;
	vm10 =	vgt.f32 v22, v21  }
0x94: {  	v20 =	vsel vm13, v31, v20;
	vm12 =	vgt.f32 v25, v18;
	v21 =	vsel vm10, v22, v21  }
0x95: {  	v15 =	vsel vm11, v9, v15;
	v18 =	vsel vm12, v25, v18;
	vm11 =	vgt.f32 v20, v21  }
0x96: {  	v15 =	vsel vm12, v10, v15;
	vm12 =	vgt.f32 v11, v19;
	v20 =	vsel vm11, v20, v21  }
0x97: {  	v11 =	vsel vm12, v11, v19;
	v16 =	vsel vm12, v10, v16;
	vm12 =	vgt.f32 v18, v20  }
0x98: {  	v14 =	vsel vm2, v9, v14;
	v9 =	vsel vm3, v9, v12;
	v18 =	vsel vm12, v18, v20  }
0x99: {  	v12 =	vsel vm7, v10, v13;
	v13 =	vsel vm5, v10, v14;
	vm1 =	vgt.f32 v11, v18  }
0x9a: {  	v14 =	vsel vm0, v10, v63;
	v17 =	vsel vm13, v10, v17;
	v11 =	vsel vm1, v11, v18  }
0x9b: {  	v9 =	vsel vm8, v10, v9;
	v10 =	vshll.u32 v14, $0x4;
	v14 =	vshll.u32 v28, $0x4;
	(xrf0) =	vmax.scan.msk.f32 $0xffff, v11  }
0x9c: {  	v12 =	vshll.u32 v12, $0x4;
	v10 =	vor.u32 v0, v10;
	v14 =	vadd.s32 v1, v14  }
0x9d: {  	v13 =	vshll.u32 v13, $0x4;
	v12 =	vadd.s32 v2, v12;
	v10 =	vsel vm4, v14, v10  }
0x9e: {  	v9 =	vshll.u32 v9, $0x4;
	v10 =	vsel vm6, v12, v10;
	v12 =	vadd.s32 v3, v13  }
0x9f: {  	v9 =	vadd.s32 v4, v9;
	v10 =	vsel vm9, v12, v10;
	v12 =	vshll.u32 v17, $0x4  }
0xa0: {  	v9 =	vsel vm10, v9, v10;
	v10 =	vadd.s32 v5, v12;
	v12 =	vshll.u32 v15, $0x4  }
0xa1: {  	v9 =	vsel vm11, v10, v9;
	v10 =	vadd.s32 v6, v12;
	v12 =	vshll.u32 v16, $0x4;
	v13, _, _ =	vpop (xrf0)  }
0xa2: {  	v9 =	vsel vm12, v10, v9;
	v10 =	vadd.s32 v7, v12;
	v12 =	vbroadcast v13, $0xF  }
0xa3: {  	v9 =	vsel vm1, v10, v9  }
0xa4: {  	v9 =	vxor.u32 $0x80000000, v9;
	vm0 =	veq.f32 v11, v12  }
0xa5: {  	v9 =	vnsel vm0, $0xC0000000, v9  }
0xa6: {  	(xrf0) =	vmin.scan.msk.u32 $0xffff, v9;
	_ =	sdelay $0x5  }
0xa7: {  	v9, _, _ =	vpop (xrf0)  }
0xa8: {  	(v2sf) =	vpush v9, $0xF;
	_ =	sdelay $0xe  }
0xa9: {  	s19 =	spop (v2sf)  }
0xaa: {  	s22 =	sshll.u32 s19, $0x3  }
0xab: {  	s0 =	sand.u32 $0x7FFFFC00, s22  }
0xac: {  	s0 =	sadd.s32 s7, s0  }
0xad: {  	s23 =	simm.s32 $0x8400;
	s24 =	simm.s32 $0x0;
	s0 =	sshrl.u32 s0, $0x3  }
0xae: {  	s26 =	simm.s32 $0x1040;
	s22 =	simm.s32 $0x0;
	s0 =	sadd.s32 s2, s0  }
0xaf: {  	[tilespmem:s23], [sflag:$0x1] =	stream.linear.gather [hbm4b:s0+s22], $0x400, $0x38;
	[tilespmem:$0x9080] =	vst v63  }
0xb0: {  	s29 =	simm.s32 $0x7040;
	s31 =	simm.s32 $0x810;
	_ =	swait.ge [sflag:s13], $0x4000  }
0xb1: {  	s25 =	sand.u32 $0xE00, s22;
	s0 =	sand.u32 $0x60, s24;
	[sflag:s13] =	ssyncset.done $0x0  }
0xb2: {  	s21 =	simm.s32 $0x1C10;
	s20 =	sor.u32 s0, s25;
	[sflag:s13] =	ssyncadd.s32 $0xFFFFC000  }
0xb3: {  	s14 =	simm.s32 $0xC10;
	s11 =	sand.u32 $0x7E00, s29;
	s28 =	sand.u32 $0x70, s21;
	v32 =	vld [tilespmem:s20+$0x100]  }
0xb4: {  	s15 =	simm.s32 $0x3040;
	s1 =	sor.u32 s28, s11;
	s23 =	simm.s32 $0x410;
	v34 =	vld [tilespmem:s20+$0x1100]  }
0xb5: {  	s24 =	simm.s32 $0x2040;
	s0 =	sand.u32 $0x1E00, s26;
	s30 =	sand.u32 $0x70, s23;
	v11 =	vld [tilespmem:s1+$0x100]  }
0xb6: {  	s11 =	sand.u32 $0x70, s31;
	s12 =	sand.u32 $0x2E00, s24;
	s0 =	sor.u32 s30, s0;
	v29 =	vld [tilespmem:s20+$0x110]  }
0xb7: {  	v37 =	vimm.s32 $0x0;
	v27 =	vimm.f32 $-Inf;
	s28 =	sand.u32 $0x3E00, s15;
	s26 =	sand.u32 $0x70, s14;
	s25 =	sor.u32 s11, s12;
	v30 =	vld [tilespmem:s0+$0x100]  }
0xb8: {  	v24 =	vimm.f32 $-Inf;
	v23 =	vimm.f32 $-Inf;
	v25 =	vimm.f32 $-Inf;
	s29 =	sor.u32 s26, s28;
	v21 =	vld [tilespmem:s25+$0x100]  }
0xb9: {  	v22 =	vimm.f32 $-Inf;
	v28 =	vimm.s32 $0x0;
	v19 =	vimm.f32 $-Inf;
	v26 =	vld [tilespmem:s29+$0x100]  }
0xba: {  	s31 =	simm.s32 $0x4040;
	v14 =	vimm.s32 $0x0;
	v20 =	vimm.f32 $-Inf;
	v17 =	vimm.s32 $0x0;
	s30 =	simm.s32 $0x1010;
	v31 =	vld [tilespmem:s20+$0x2100]  }
0xbb: {  	v18 =	vimm.f32 $-Inf;
	v15 =	vimm.s32 $0x0;
	v16 =	vimm.s32 $0x0;
	v35 =	vld [tilespmem:s20+$0x3100];
	s0 =	sand.u32 $0x70, s30;
	s1 =	sand.u32 $0x4E00, s31  }
0xbc: {  	v13 =	vimm.s32 $0x0;
	v12 =	vimm.s32 $0x0;
	v9 =	vimm.s32 $0x0;
	v36 =	vld [tilespmem:s20+$0x4100];
	s0 =	sor.u32 s0, s1  }
0xbd: {  	v10 =	vor.u32 $0x1, v9;
	s23 =	simm.s32 $0x1C30;
	s24 =	simm.s32 $0x80;
	v33 =	vld [tilespmem:s0+$0x100];
	s0 =	simm.s32 $0x5040;
	vm1 =	vgt.f32 v32, v25;
	vm0 =	vgt.f32 v34, v25  }
.LBB2_10:
0xbe: {  	p0 =	sne.s32 s24, $0xF80;
	v25 =	vsel vm1, v32, v25;
	v27 =	vsel vm0, v34, v27;
	v28 =	vsel vm0, v9, v28;
	v32 =	vld [tilespmem:s20+$0x5100];
	s1 =	sadd.s32 $0xFFFFF800, s21;
	s11 =	sadd.s32 $0x6040, s22  }
0xbf: {  	v37 =	vsel vm1, v9, v37;
	s0 =	sand.u32 $0x5E00, s0;
	s21 =	sadd.s32 $0xFFFFFC00, s21;
	v34 =	vld [tilespmem:s20+$0x6100];
	vm0 =	vgt.f32 v29, v25;
	vm1 =	vgt.f32 v30, v27;
	s1 =	sand.u32 $0x70, s1  }
0xc0: {  	s11 =	sand.u32 $0x6E00, s11;
	v38 =	vld [tilespmem:s20+$0x7100];
	v25 =	vsel vm0, v29, v25;
	v27 =	vsel vm1, v30, v27;
	v28 =	vsel vm1, v10, v28;
	s0 =	sor.u32 s1, s0;
	s1 =	sand.u32 $0x70, s21  }
0xc1: {  	s20 =	sadd.s32 $0x1040, s24;
	s21 =	sadd.s32 $0x2040, s24;
	vm1 =	vgt.f32 v31, v23;
	vm2 =	vgt.f32 v35, v24;
	vm3 =	vgt.f32 v36, v22;
	v39 =	vld [tilespmem:s0+$0x100];
	s0 =	sor.u32 s1, s11  }
0xc2: {  	s22 =	sadd.s32 $0x7040, s24;
	s1 =	sand.u32 $0xE00, s24;
	s11 =	sand.u32 $0x70, s23;
	v23 =	vsel vm1, v31, v23;
	v24 =	vsel vm2, v35, v24;
	v22 =	vsel vm3, v36, v22;
	v31 =	vld [tilespmem:s0+$0x100]  }
0xc3: {  	s25 =	sadd.s32 $0xFFFFE800, s23;
	s22 =	sand.u32 $0x7E00, s22;
	s0 =	sadd.s32 $0xFFFFE3F0, s23;
	vm4 =	vgt.f32 v21, v23;
	vm5 =	vgt.f32 v26, v24;
	vm6 =	vgt.f32 v33, v22  }
0xc4: {  	s26 =	sand.u32 $0x1E00, s20;
	s11 =	sor.u32 s11, s22;
	s0 =	sand.u32 $0x60, s0;
	v23 =	vsel vm4, v21, v23;
	v24 =	vsel vm5, v26, v24;
	v22 =	vsel vm6, v33, v22  }
0xc5: {  	vm7 =	vgt.f32 v32, v20;
	s20 =	sor.u32 s0, s1;
	s0 =	sand.u32 $0x70, s25;
	s1 =	sadd.s32 $0xFFFFEC00, s23;
	vm8 =	vgt.f32 v34, v18;
	v26 =	vld [tilespmem:s11+$0x100];
	vm9 =	vgt.f32 v38, v19  }
0xc6: {  	v20 =	vsel vm7, v32, v20;
	s0 =	sor.u32 s0, s26;
	s1 =	sand.u32 $0x70, s1;
	s11 =	sand.u32 $0x2E00, s21;
	v18 =	vsel vm8, v34, v18;
	v29 =	vld [tilespmem:s20+$0x110];
	v19 =	vsel vm9, v38, v19  }
0xc7: {  	s22 =	smov.u32 s24;
	s21 =	smov.u32 s23;
	vm10 =	vgt.f32 v39, v20;
	v30 =	vld [tilespmem:s0+$0x100];
	s0 =	sor.u32 s1, s11;
	vm11 =	vgt.f32 v31, v18;
	vm12 =	vgt.f32 v11, v19  }
0xc8: {  	s1 =	sadd.s32 $0x3040, s24;
	v20 =	vsel vm10, v39, v20;
	v21 =	vld [tilespmem:s0+$0x100];
	s0 =	sadd.s32 $0xFFFFF000, s23;
	v18 =	vsel vm11, v31, v18;
	v19 =	vsel vm12, v11, v19  }
0xc9: {  	v15 =	vsel vm8, v9, v15;
	v16 =	vsel vm9, v9, v16;
	s1 =	sand.u32 $0x3E00, s1;
	v31 =	vsel vm7, v9, v17;
	v32 =	vld [tilespmem:s20+$0x100];
	s0 =	sand.u32 $0x70, s0  }
0xca: {  	v15 =	vsel vm11, v10, v15;
	v16 =	vsel vm12, v10, v16;
	v17 =	vsel vm10, v10, v31;
	v34 =	vld [tilespmem:s20+$0x1100];
	s0 =	sor.u32 s0, s1;
	v11 =	vmovc v26  }
.Ltmp4:
0xcb: {  	v13 =	vsel vm1, v9, v13;
	v14 =	vsel vm2, v9, v14;
	v12 =	vsel vm3, v9, v12;
	v26 =	vld [tilespmem:s0+$0x100];
	(pc) =	sbr.rel @p0 .LBB2_10-.Ltmp4, $4  }
0xcc: {  	v13 =	vsel vm4, v10, v13;
	v14 =	vsel vm5, v10, v14;
	v12 =	vsel vm6, v10, v12;
	s1 =	sadd.s32 $0x4040, s24;
	s0 =	sadd.s32 $0xFFFFF400, s23;
	v31 =	vld [tilespmem:s20+$0x2100]  }
0xcd: {  	v37 =	vsel vm0, v10, v37;
	s1 =	sand.u32 $0x4E00, s1;
	s0 =	sand.u32 $0x70, s0;
	v35 =	vld [tilespmem:s20+$0x3100]  }
0xce: {  	v9 =	vadd.s32 $0x2, v9;
	s0 =	sor.u32 s0, s1;
	v36 =	vld [tilespmem:s20+$0x4100]  }
0xcf: {  	v10 =	vor.u32 $0x1, v9;
	s24 =	sadd.s32 $0x80, s24;
	s23 =	sadd.s32 $0x20, s23;
	vm1 =	vgt.f32 v32, v25;
	vm0 =	vgt.f32 v34, v27;
	v33 =	vld [tilespmem:s0+$0x100];
	s0 =	sadd.s32 $0x5040, s22  }
0xd0: {  	v25 =	vsel vm1, v32, v25;
	v27 =	vsel vm0, v34, v27  }
0xd1: {  	v28 =	vsel vm0, v9, v28;
	v59 =	vsel vm1, v9, v37;
	vm0 =	vgt.f32 v29, v25  }
0xd2: {  	vm2 =	vgt.f32 v30, v27;
	vm1 =	vgt.f32 v31, v23;
	v25 =	vsel vm0, v29, v25  }
0xd3: {  	v58 =	vld [tilespmem:s20+$0x5100];
	v27 =	vsel vm2, v30, v27;
	v28 =	vsel vm2, v10, v28;
	vm2 =	vgt.f32 v35, v24  }
0xd4: {  	s1 =	sadd.s32 $0xFFFFF800, s21;
	s0 =	sand.u32 $0x5E00, s0;
	v29 =	vld [tilespmem:s20+$0x6100];
	v23 =	vsel vm1, v31, v23;
	v13 =	vsel vm1, v9, v13;
	vm3 =	vgt.f32 v36, v22  }
0xd5: {  	s11 =	sadd.s32 $0x6040, s22;
	s26 =	sadd.s32 $0xFFFFFC00, s21;
	s1 =	sand.u32 $0x70, s1;
	v30 =	vld [tilespmem:s20+$0x7100];
	v24 =	vsel vm2, v35, v24;
	vm7 =	vgt.f32 v21, v23;
	vm4 =	vgt.f32 v27, v25  }
0xd6: {  	s12 =	sand.u32 $0x70, s26;
	s11 =	sand.u32 $0x6E00, s11;
	s0 =	sor.u32 s1, s0;
	v22 =	vsel vm3, v36, v22;
	vm5 =	vgt.f32 v26, v24;
	v21 =	vsel vm7, v21, v23  }
0xd7: {  	s14 =	sor.u32 s12, s11;
	v31 =	vld [tilespmem:s0+$0x100];
	vm8 =	vgt.f32 v33, v22;
	v23 =	vsel vm5, v26, v24;
	v24 =	vsel vm4, v27, v25  }
0xd8: {  	v25 =	vld [tilespmem:s14+$0x100];
	vm10 =	vgt.f32 v58, v20;
	v22 =	vsel vm8, v33, v22;
	vm6 =	vgt.f32 v21, v24  }
0xd9: {  	v20 =	vsel vm10, v58, v20;
	v17 =	vsel vm10, v9, v17;
	v21 =	vsel vm6, v21, v24  }
0xda: {  	vm11 =	vgt.f32 v29, v18;
	vm12 =	vgt.f32 v30, v19;
	vm9 =	vgt.f32 v23, v21  }
0xdb: {  	v18 =	vsel vm11, v29, v18;
	v19 =	vsel vm12, v30, v19;
	v21 =	vsel vm9, v23, v21  }
0xdc: {  	vm13 =	vgt.f32 v31, v20;
	v16 =	vsel vm12, v9, v16;
	vm10 =	vgt.f32 v22, v21  }
0xdd: {  	v20 =	vsel vm13, v31, v20;
	vm12 =	vgt.f32 v25, v18;
	v21 =	vsel vm10, v22, v21  }
0xde: {  	v15 =	vsel vm11, v9, v15;
	v18 =	vsel vm12, v25, v18;
	vm11 =	vgt.f32 v20, v21  }
0xdf: {  	v15 =	vsel vm12, v10, v15;
	vm12 =	vgt.f32 v11, v19;
	v20 =	vsel vm11, v20, v21  }
0xe0: {  	v11 =	vsel vm12, v11, v19;
	v16 =	vsel vm12, v10, v16;
	vm12 =	vgt.f32 v18, v20  }
0xe1: {  	v14 =	vsel vm2, v9, v14;
	v9 =	vsel vm3, v9, v12;
	v18 =	vsel vm12, v18, v20  }
0xe2: {  	v12 =	vsel vm7, v10, v13;
	v13 =	vsel vm5, v10, v14;
	vm1 =	vgt.f32 v11, v18  }
0xe3: {  	v14 =	vsel vm0, v10, v59;
	v17 =	vsel vm13, v10, v17;
	v11 =	vsel vm1, v11, v18  }
0xe4: {  	v9 =	vsel vm8, v10, v9;
	v10 =	vshll.u32 v14, $0x4;
	v14 =	vshll.u32 v28, $0x4;
	(xrf0) =	vmax.scan.msk.f32 $0xffff, v11  }
0xe5: {  	v12 =	vshll.u32 v12, $0x4;
	v10 =	vor.u32 v0, v10;
	v14 =	vadd.s32 v1, v14  }
0xe6: {  	v13 =	vshll.u32 v13, $0x4;
	v12 =	vadd.s32 v2, v12;
	v10 =	vsel vm4, v14, v10  }
0xe7: {  	v9 =	vshll.u32 v9, $0x4;
	v10 =	vsel vm6, v12, v10;
	v12 =	vadd.s32 v3, v13  }
0xe8: {  	v9 =	vadd.s32 v4, v9;
	v10 =	vsel vm9, v12, v10;
	v12 =	vshll.u32 v17, $0x4  }
0xe9: {  	v9 =	vsel vm10, v9, v10;
	v10 =	vadd.s32 v5, v12;
	v12 =	vshll.u32 v15, $0x4  }
0xea: {  	v9 =	vsel vm11, v10, v9;
	v10 =	vadd.s32 v6, v12;
	v12 =	vshll.u32 v16, $0x4;
	v13, _, _ =	vpop (xrf0)  }
0xeb: {  	v9 =	vsel vm12, v10, v9;
	v10 =	vadd.s32 v7, v12;
	v12 =	vbroadcast v13, $0xF  }
0xec: {  	v9 =	vsel vm1, v10, v9  }
0xed: {  	v9 =	vxor.u32 $0x80000000, v9;
	vm0 =	veq.f32 v11, v12  }
0xee: {  	v9 =	vnsel vm0, $0xC0000000, v9  }
0xef: {  	(xrf0) =	vmin.scan.msk.u32 $0xffff, v9;
	_ =	sdelay $0x5  }
0xf0: {  	v9, _, _ =	vpop (xrf0)  }
0xf1: {  	(v2sf) =	vpush v9, $0xF;
	_ =	sdelay $0xe  }
0xf2: {  	s20 =	spop (v2sf)  }
0xf3: {  	s15 =	sshll.u32 s20, $0x3  }
0xf4: {  	s0 =	sand.u32 $0x7FFFFC00, s15  }
0xf5: {  	s0 =	sadd.s32 s7, s0  }
0xf6: {  	s21 =	simm.s32 $0x0;
	s0 =	sshrl.u32 s0, $0x3  }
0xf7: {  	s23 =	simm.s32 $0x8800;
	s26 =	simm.s32 $0x7040;
	s0 =	sadd.s32 s2, s0  }
0xf8: {  	[tilespmem:s23], [sflag:$0x1] =	stream.linear.gather [hbm4b:s0+s21], $0x400, $0x38;
	[tilespmem:$0x9080] =	vst v63  }
0xf9: {  	s24 =	simm.s32 $0x1C10;
	s22 =	sand.u32 $0x7E00, s26;
	s23 =	simm.s32 $0x0  }
0xfa: {  	s0 =	sand.u32 $0x70, s24;
	s24 =	sand.u32 $0xE00, s21;
	s23 =	sand.u32 $0x60, s23  }
0xfb: {  	s0 =	sor.u32 s0, s22;
	s22 =	sor.u32 s23, s24  }
0xfc: {  	v9 =	vld [tilespmem:s22+$0x7180]  }
0xfd: {  	s25 =	simm.s32 $0x5040;
	s28 =	simm.s32 $0xC10;
	v10 =	vld [tilespmem:s22+$0x6180]  }
0xfe: {  	s29 =	simm.s32 $0x3040;
	s30 =	simm.s32 $0x810;
	s31 =	simm.s32 $0x60C0;
	v14 =	vld [tilespmem:s22+$0x5180]  }
0xff: {  	s29 =	sand.u32 $0x3E00, s29;
	s30 =	sand.u32 $0x70, s30;
	s11 =	simm.s32 $0x6040;
	v23 =	vld [tilespmem:s22+$0x3180]  }
0x100: {  	s1 =	sand.u32 $0x3, s21;
	s12 =	simm.s32 $0x1410;
	s15 =	simm.s32 $0x1810;
	v25 =	vld [tilespmem:s22+$0x4180]  }
0x101: {  	s11 =	sand.u32 $0x6E00, s11;
	s14 =	sand.u32 $0x70, s12;
	s23 =	sand.u32 $0x70, s15  }
0x102: {  	s21 =	sand.u32 $0x5E00, s25;
	v11 =	vld [tilespmem:s0+$0x180];
	s24 =	sshll.u32 s1, $0x5;
	s25 =	sor.u32 s23, s11  }
0x103: {  	s28 =	sand.u32 $0x70, s28;
	v15 =	vimm.f32 $-Inf;
	s0 =	sor.u32 s14, s21;
	s26 =	sadd.s32 $0x0, s24;
	v13 =	vld [tilespmem:s25+$0x180]  }
0x104: {  	v17 =	vimm.s32 $0x0;
	s1 =	simm.s32 $0x80;
	s14 =	simm.s32 $0x1040;
	v12 =	vld [tilespmem:s0+$0x180];
	s12 =	sor.u32 $0x180, s26;
	vm0 =	vgt.f32 v9, v15;
	vm1 =	vgt.f32 v10, v15  }
0x105: {  	s21 =	simm.s32 $0x1;
	s15 =	simm.s32 $0x1010;
	v22 =	vld [tilespmem:s12+$0x0];
	s12 =	simm.s32 $0x2040;
	vm2 =	vgt.f32 v14, v15;
	vm3 =	vgt.f32 v23, v15;
	vm12 =	vgt.f32 v25, v15  }
0x106: {  	s23 =	simm.s32 $0x410;
	v19 =	vld [tilespmem:s22+$0x2180];
	s11 =	sor.u32 $0x190, s26;
	s0 =	sand.u32 $0x2E00, s12;
	v18 =	vsel vm0, v9, v15;
	v20 =	vsel vm1, v10, v15;
	v21 =	vsel vm1, v17, v17  }
0x107: {  	s24 =	sand.u32 $0x70, s15;
	s1 =	sand.u32 $0xE00, s1;
	v16 =	vld [tilespmem:s11+$0x0];
	s0 =	sor.u32 s30, s0;
	v9 =	vadd.s32 $0x2, v17;
	v24 =	vsel vm0, v17, v17;
	v10 =	vor.u32 $0x1, v17  }
0x108: {  	s25 =	simm.s32 $0x4040;
	s26 =	simm.s32 $0x1C30;
	s23 =	sand.u32 $0x70, s23;
	v29 =	vld [tilespmem:s0+$0x180];
	v14 =	vsel vm2, v14, v15;
	v26 =	vsel vm3, v23, v15;
	vm1 =	vgt.f32 v13, v20  }
0x109: {  	s25 =	sand.u32 $0x4E00, s25;
	s11 =	sand.u32 $0x1E00, s14;
	s14 =	sor.u32 s28, s29;
	v28 =	vsel vm12, v17, v17;
	vm0 =	vgt.f32 v11, v18;
	v31 =	vsel vm1, v13, v20;
	v13 =	vld [tilespmem:s22+$0x1180]  }
0x10a: {  	s26 =	sand.u32 $0x70, s26;
	s15 =	sor.u32 s24, s25;
	s25 =	simm.s32 $0x70C0;
	vm11 =	vgt.f32 v12, v14;
	v20 =	vsel vm2, v17, v17;
	v30 =	vsel vm0, v11, v18;
	v18 =	vld [tilespmem:s14+$0x180]  }
0x10b: {  	s11 =	sor.u32 s23, s11;
	s12 =	simm.s32 $0x20;
	s24 =	sand.u32 $0x7E00, s25;
	v61 =	vld [tilespmem:s15+$0x180];
	vm2 =	vgt.f32 v19, v15;
	v60 =	vsel vm1, v10, v21;
	vm1 =	vgt.f32 v22, v15  }
0x10c: {  	s28 =	simm.s32 $0x50C0;
	s0 =	sor.u32 s26, s24;
	s14 =	sand.u32 $0x60, s12;
	v27 =	vsel vm2, v19, v15;
	v11 =	vsel vm11, v10, v20;
	v20 =	vsel vm1, v22, v15;
	v22 =	vld [tilespmem:s11+$0x180]  }
0x10d: {  	s29 =	simm.s32 $0x430;
	s15 =	sand.u32 $0x3, s21;
	v21 =	vsel vm11, v12, v14;
	v12 =	vld [tilespmem:s0+$0x180];
	s21 =	sor.u32 s14, s1;
	v14 =	vsel vm2, v17, v17;
	vm2 =	vgt.f32 v29, v27  }
0x10e: {  	s23 =	simm.s32 $0x1430;
	s24 =	sshll.u32 s15, $0x5;
	s26 =	simm.s32 $0x1830;
	v24 =	vsel vm0, v10, v24;
	vm14 =	vgt.f32 v16, v20;
	v63 =	vld [tilespmem:s21+$0x6180];
	v27 =	vsel vm2, v29, v27  }
0x10f: {  	s25 =	sand.u32 $0x5E00, s28;
	s0 =	sadd.s32 $0x80, s24;
	s12 =	sand.u32 $0x70, s26;
	v62 =	vld [tilespmem:s21+$0x7180];
	v14 =	vsel vm2, v10, v14;
	vm13 =	vgt.f32 v13, v15;
	vm0 =	vgt.f32 v18, v26  }
0x110: {  	s22 =	simm.s32 $0x100;
	s26 =	simm.s32 $0x40C0;
	s1 =	sand.u32 $0x70, s23;
	v33 =	vld [tilespmem:s21+$0x5180];
	v13 =	vsel vm13, v13, v15;
	v15 =	vsel vm12, v25, v15;
	v25 =	vsel vm14, v16, v20  }
0x111: {  	s24 =	simm.s32 $0x1C50;
	s14 =	sand.u32 $0x6E00, s31;
	s1 =	sor.u32 s1, s25;
	v34 =	vld [tilespmem:s21+$0x2180];
	v16 =	vsel vm1, v17, v17;
	vm1 =	vgt.f32 v22, v13;
	vm2 =	vgt.f32 v61, v15  }
0x112: {  	s15 =	sor.u32 $0x190, s0;
	s28 =	sor.u32 $0x180, s0;
	s25 =	sor.u32 s12, s14;
	v19 =	vld [tilespmem:s1+$0x180];
	v23 =	vsel vm1, v22, v13;
	v22 =	vsel vm2, v61, v15;
	v15 =	vsel vm3, v17, v17  }
0x113: {  	s31 =	simm.s32 $0x10C0;
	s23 =	simm.s32 $0x2;
	s0 =	simm.s32 $0xC30;
	v32 =	vld [tilespmem:s25+$0x180];
	v29 =	vsel vm13, v17, v17;
	v16 =	vsel vm14, v10, v16;
	vm15 =	vgt.f32 v63, v31  }
0x114: {  	s30 =	sand.u32 $0x4E00, s26;
	s26 =	simm.s32 $0x830;
	s12 =	simm.s32 $0x30C0;
	v20 =	vld [tilespmem:s15+$0x0];
	v13 =	vsel vm1, v10, v29;
	vm1 =	vgt.f32 v62, v30;
	v35 =	vsel vm15, v63, v31  }
0x115: {  	s1 =	simm.s32 $0x1030;
	s25 =	simm.s32 $0x20C0;
	s11 =	sand.u32 $0x3E00, s12;
	v29 =	vld [tilespmem:s21+$0x3180];
	v31 =	vsel vm15, v9, v60;
	v30 =	vsel vm1, v62, v30;
	v17 =	vsel vm0, v10, v15;
	v15 =	vmovc v9  }
.LBB2_12:
0x116: {  	v36 =	vld [tilespmem:s28+$0x0];
	s12 =	sand.u32 $0x70, s26;
	s28 =	sand.u32 $0x2E00, s25  }
0x117: {  	s14 =	sand.u32 $0x70, s1;
	v9 =	vadd.s32 $0x2, v9;
	v26 =	vsel vm0, v18, v26;
	v28 =	vsel vm2, v10, v28;
	s25 =	smov.u32 s22;
	s26 =	smov.u32 s24  }
0x118: {  	p0 =	sne.s32 s22, $0xF80;
	s22 =	sadd.s32 $0x80, s22;
	v24 =	vsel vm1, v15, v24;
	v10 =	vor.u32 $0x1, v15;
	s31 =	sand.u32 $0x1E00, s31;
	v37 =	vld [tilespmem:s21+$0x4180];
	vm1 =	vgt.f32 v32, v35  }
0x119: {  	s0 =	sand.u32 $0x70, s0;
	vm0 =	vgt.f32 v12, v30;
	s1 =	sadd.s32 $0x6040, s25;
	s12 =	sor.u32 s12, s28;
	vm2 =	vgt.f32 v33, v21;
	v35 =	vsel vm1, v32, v35  }
0x11a: {  	s15 =	sadd.s32 $0x5040, s25;
	s0 =	sor.u32 s0, s11;
	s11 =	sor.u32 s14, s30;
	v30 =	vsel vm0, v12, v30;
	v32 =	vld [tilespmem:s21+$0x1180];
	v21 =	vsel vm2, v33, v21;
	v11 =	vsel vm2, v15, v11  }
0x11b: {  	s14 =	sand.u32 $0xE00, s25;
	s28 =	sand.u32 $0x70, s29;
	v31 =	vsel vm1, v10, v31;
	s21 =	sand.u32 $0x70, s24;
	vm2 =	vgt.f32 v34, v27;
	v18 =	vld [tilespmem:s0+$0x180];
	vm4 =	vgt.f32 v19, v21  }
0x11c: {  	s29 =	sadd.s32 $0x7040, s25;
	s28 =	sor.u32 s28, s31;
	s0 =	sand.u32 $0x3, s23;
	vm1 =	vgt.f32 v36, v25;
	v27 =	vsel vm2, v34, v27;
	v33 =	vld [tilespmem:s12+$0x180];
	v11 =	vsel vm4, v10, v11  }
0x11d: {  	s29 =	sand.u32 $0x7E00, s29;
	vm3 =	vgt.f32 v29, v26;
	s0 =	sshll.u32 s0, $0x5;
	s12 =	sadd.s32 $0xFFFFE3F0, s24;
	v21 =	vsel vm4, v19, v21;
	v25 =	vsel vm1, v36, v25;
	v34 =	vld [tilespmem:s28+$0x180]  }
0x11e: {  	s29 =	sor.u32 s21, s29;
	v26 =	vsel vm3, v29, v26;
	s12 =	sand.u32 $0x60, s12;
	s0 =	sadd.s32 s0, s25;
	vm5 =	vgt.f32 v37, v22;
	v29 =	vld [tilespmem:s11+$0x180]  }
0x11f: {  	v24 =	vsel vm0, v10, v24;
	s28 =	sor.u32 $0x180, s0;
	s21 =	sor.u32 s12, s14;
	s11 =	sadd.s32 $0xFFFFF800, s24;
	v28 =	vsel vm5, v15, v28;
	v12 =	vld [tilespmem:s29+$0x180];
	vm6 =	vgt.f32 v32, v23  }
0x120: {  	v14 =	vsel vm2, v15, v14;
	s12 =	sand.u32 $0x5E00, s15;
	s14 =	sadd.s32 $0xFFFFFC00, s24;
	vm4 =	vgt.f32 v20, v25;
	s11 =	sand.u32 $0x70, s11;
	v36 =	vld [tilespmem:s21+$0x7180];
	vm0 =	vgt.f32 v18, v26  }
0x121: {  	s1 =	sand.u32 $0x6E00, s1;
	v22 =	vsel vm5, v37, v22;
	s11 =	sor.u32 s11, s12;
	s12 =	sand.u32 $0x70, s14;
	v23 =	vsel vm6, v32, v23;
	v38 =	vld [tilespmem:s21+$0x6180];
	vm2 =	vgt.f32 v33, v27  }
0x122: {  	s0 =	sor.u32 $0x190, s0;
	v25 =	vsel vm4, v20, v25;
	s1 =	sor.u32 s12, s1;
	v19 =	vld [tilespmem:s11+$0x180];
	v27 =	vsel vm2, v33, v27;
	v14 =	vsel vm2, v10, v14  }
.Ltmp5:
0x123: {  	v16 =	vsel vm1, v15, v16;
	v13 =	vsel vm6, v15, v13;
	vm1 =	vgt.f32 v34, v23;
	v20 =	vld [tilespmem:s0+$0x0];
	(pc) =	sbr.rel @p0 .LBB2_12-.Ltmp5, $4  }
0x124: {  	s31 =	sadd.s32 $0x1040, s25;
	s23 =	sadd.s32 $0x1, s23;
	s29 =	sadd.s32 $0xFFFFE800, s24;
	v23 =	vsel vm1, v34, v23;
	v13 =	vsel vm1, v10, v13;
	vm2 =	vgt.f32 v29, v22;
	v32 =	vld [tilespmem:s1+$0x180]  }
0x125: {  	s24 =	sadd.s32 $0x20, s24;
	v16 =	vsel vm4, v10, v16;
	s11 =	sadd.s32 $0x4040, s25;
	s1 =	sadd.s32 $0xFFFFF400, s26;
	v22 =	vsel vm2, v29, v22;
	v33 =	vld [tilespmem:s21+$0x5180];
	vm1 =	vgt.f32 v36, v30  }
0x126: {  	v17 =	vsel vm3, v15, v17;
	v15 =	vmovc v9;
	s12 =	sadd.s32 $0x3040, s25;
	s0 =	sadd.s32 $0xFFFFF000, s26;
	s30 =	sand.u32 $0x4E00, s11;
	v29 =	vld [tilespmem:s21+$0x3180];
	vm4 =	vgt.f32 v38, v35;
	v30 =	vsel vm1, v36, v30  }
0x127: {  	v17 =	vsel vm0, v10, v17;
	s25 =	sadd.s32 $0x2040, s25;
	s11 =	sand.u32 $0x3E00, s12;
	s26 =	sadd.s32 $0xFFFFEC00, s26;
	v34 =	vld [tilespmem:s21+$0x2180];
	v35 =	vsel vm4, v38, v35;
	v31 =	vsel vm4, v9, v31  }
0x128: {  	v9 =	vld [tilespmem:s28+$0x0]  }
0x129: {  	s12 =	sand.u32 $0x1E00, s31;
	v36 =	vld [tilespmem:s21+$0x1180];
	s14 =	sand.u32 $0x70, s29  }
0x12a: {  	s12 =	sor.u32 s14, s12  }
0x12b: {  	s31 =	sand.u32 $0x70, s26;
	s15 =	sand.u32 $0x2E00, s25;
	v37 =	vld [tilespmem:s12+$0x180]  }
0x12c: {  	v18 =	vsel vm0, v18, v26;
	v10 =	vsel vm2, v10, v28;
	s14 =	sor.u32 s31, s15  }
0x12d: {  	s0 =	sand.u32 $0x70, s0;
	v24 =	vsel vm1, v15, v24;
	v49 =	vor.u32 $0x1, v15;
	vm5 =	vgt.f32 v32, v35;
	v42 =	vld [tilespmem:s14+$0x180]  }
0x12e: {  	v43 =	vld [tilespmem:s21+$0x4180];
	s0 =	sor.u32 s0, s11;
	vm6 =	vgt.f32 v33, v21;
	vm2 =	vgt.f32 v9, v25;
	vm3 =	vgt.f32 v36, v23  }
0x12f: {  	s1 =	sand.u32 $0x70, s1;
	v44 =	vld [tilespmem:s0+$0x180];
	v21 =	vsel vm6, v33, v21;
	v9 =	vsel vm2, v9, v25;
	v23 =	vsel vm3, v36, v23  }
0x130: {  	s15 =	sor.u32 s1, s30;
	vm10 =	vgt.f32 v34, v27;
	vm4 =	vgt.f32 v20, v9;
	vm7 =	vgt.f32 v37, v23  }
0x131: {  	v45 =	vld [tilespmem:s15+$0x180];
	v27 =	vsel vm10, v34, v27;
	v9 =	vsel vm4, v20, v9;
	v46 =	vsel vm7, v37, v23  }
0x132: {  	vm9 =	vgt.f32 v29, v18;
	vm12 =	vgt.f32 v42, v27;
	vm0 =	vgt.f32 v46, v9  }
0x133: {  	v18 =	vsel vm9, v29, v18;
	v47 =	vsel vm12, v42, v27;
	v9 =	vsel vm0, v46, v9  }
0x134: {  	vm8 =	vgt.f32 v43, v22;
	vm11 =	vgt.f32 v44, v18;
	vm1 =	vgt.f32 v47, v9  }
0x135: {  	v48 =	vsel vm8, v43, v22;
	v18 =	vsel vm11, v44, v18;
	v9 =	vsel vm1, v47, v9  }
0x136: {  	v11 =	vsel vm6, v15, v11;
	vm13 =	vgt.f32 v45, v48;
	vm6 =	vgt.f32 v18, v9  }
0x137: {  	v41 =	vsel vm5, v32, v35;
	v20 =	vsel vm13, v45, v48;
	v9 =	vsel vm6, v18, v9  }
0x138: {  	v50 =	vsel vm5, v49, v31;
	vm14 =	vgt.f32 v19, v21;
	vm5 =	vgt.f32 v20, v9  }
0x139: {  	v56 =	vshll.u32 v50, $0x4;
	v19 =	vsel vm14, v19, v21;
	v9 =	vsel vm5, v20, v9  }
0x13a: {  	v52 =	vsel vm9, v15, v17;
	v10 =	vsel vm8, v15, v10;
	vm8 =	vgt.f32 v19, v9  }
0x13b: {  	v11 =	vsel vm14, v49, v11;
	vm14 =	vgt.f32 v12, v30;
	v9 =	vsel vm8, v19, v9  }
0x13c: {  	v14 =	vsel vm10, v15, v14;
	v12 =	vsel vm14, v12, v30;
	vm15 =	vgt.f32 v41, v9  }
0x13d: {  	v16 =	vsel vm2, v15, v16;
	v13 =	vsel vm3, v15, v13;
	v9 =	vsel vm15, v41, v9  }
0x13e: {  	v14 =	vsel vm12, v49, v14;
	v13 =	vsel vm7, v49, v13;
	vm9 =	vgt.f32 v12, v9  }
0x13f: {  	v16 =	vsel vm4, v49, v16;
	v15 =	vsel vm11, v49, v52;
	v9 =	vsel vm9, v12, v9  }
0x140: {  	v10 =	vsel vm13, v49, v10;
	v53 =	vshll.u32 v13, $0x4;
	v54 =	vshll.u32 v16, $0x4;
	(xrf0) =	vmax.scan.msk.f32 $0xffff, v9  }
0x141: {  	v14 =	vshll.u32 v14, $0x4;
	v13 =	vor.u32 v0, v54;
	v12 =	vadd.s32 v1, v53  }
0x142: {  	v15 =	vshll.u32 v15, $0x4;
	v14 =	vadd.s32 v2, v14;
	v12 =	vsel vm0, v12, v13  }
0x143: {  	v10 =	vshll.u32 v10, $0x4;
	v55 =	vadd.s32 v3, v15;
	v12 =	vsel vm1, v14, v12  }
0x144: {  	v11 =	vshll.u32 v11, $0x4;
	v10 =	vadd.s32 v4, v10;
	v12 =	vsel vm6, v55, v12  }
0x145: {  	v51 =	vsel vm14, v49, v24;
	v11 =	vadd.s32 v5, v11;
	v10 =	vsel vm5, v10, v12  }
0x146: {  	v58 =	vshll.u32 v51, $0x4;
	v13 =	vadd.s32 v6, v56;
	v10 =	vsel vm8, v11, v10;
	v57, _, _ =	vpop (xrf0)  }
0x147: {  	v59 =	vadd.s32 v7, v58;
	v10 =	vsel vm15, v13, v10;
	v11 =	vbroadcast v57, $0xF  }
0x148: {  	v10 =	vsel vm9, v59, v10  }
0x149: {  	vm11 =	veq.f32 v9, v11;
	v9 =	vxor.u32 $0x80000000, v10  }
0x14a: {  	v9 =	vnsel vm11, $0xC0000000, v9  }
0x14b: {  	(xrf0) =	vmin.scan.msk.u32 $0xffff, v9;
	_ =	sdelay $0x5  }
0x14c: {  	v9, _, _ =	vpop (xrf0)  }
0x14d: {  	(v2sf) =	vpush v9, $0xF;
	_ =	sdelay $0xe  }
0x14e: {  	s21 =	spop (v2sf)  }
0x14f: {  	s22 =	sshll.u32 s21, $0x3  }
0x150: {  	s1 =	sand.u32 $0x7FFFFC00, s22  }
0x151: {  	s1 =	sadd.s32 s7, s1  }
0x152: {  	s1 =	sshrl.u32 s1, $0x3  }
0x153: {  	s23 =	simm.s32 $0x8C00;
	s1 =	sadd.s32 s2, s1  }
0x154: {  	[tilespmem:s23], [sflag:$0x1] =	stream.linear.gather [hbm4b:s1+s3], $0x400, $0x38;
	[tilespmem:$0x9080] =	vst v63  }
0x155: {  	_ =	swait.ge [sflag:s4], $0x400  }
0x156: {  	[sflag:s4] =	ssyncset.done $0x0  }
0x157: {  	s24 =	sand.u32 $0x70, s18;
	[sflag:s4] =	ssyncadd.s32 $0xFFFFFC00  }
0x158: {  	v9 =	vld.idx.msk [tilespmem:v8+s24+$0x0 ss:$0x1], $0xffff;
	_ =	swait.ge [sflag:s4], $0x400  }
0x159: {  	[sflag:s4] =	ssyncset.done $0x0  }
0x15a: {  	s25 =	sand.u32 $0x70, s19;
	[sflag:s4] =	ssyncadd.s32 $0xFFFFFC00  }
0x15b: {  	v10 =	vld.idx.msk [tilespmem:v8+s25+$0x480 ss:$0x1], $0xffff;
	_ =	swait.ge [sflag:s4], $0x400  }
0x15c: {  	[sflag:s4] =	ssyncset.done $0x0  }
0x15d: {  	s26 =	sand.u32 $0x70, s20;
	[sflag:s4] =	ssyncadd.s32 $0xFFFFFC00  }
0x15e: {  	v11 =	vld.idx.msk [tilespmem:v8+s26+$0x900 ss:$0x1], $0xffff;
	_ =	swait.ge [sflag:s4], $0x400  }
0x15f: {  	s28 =	sand.u32 $0xF, s18;
	s29 =	sand.u32 $0xF, s19;
	[sflag:s4] =	ssyncset.done $0x0  }
0x160: {  	v60 =	vmov s28;
	v61 =	vmov s29;
	s30 =	sand.u32 $0x70, s21;
	v9 =	vadd.f32 $0.0e+00, v9;
	[sflag:s4] =	ssyncadd.s32 $0xFFFFFC00  }
0x161: {  	s31 =	sand.u32 $0xF, s20;
	vm12 =	veq.s32 v60, v0;
	vm13 =	veq.s32 v61, v0;
	v62 =	vld.idx.msk [tilespmem:v8+s30+$0xD80 ss:$0x1], $0xffff  }
0x162: {  	v63 =	vmov s31;
	v9 =	vnsel vm12, $0x0, v9;
	v10 =	vnsel vm13, $0x0, v10  }
0x163: {  	vm14 =	veq.s32 v63, v0;
	s0 =	sand.u32 $0xF, s21;
	v9 =	vadd.f32 v10, v9  }
0x164: {  	v10 =	vnsel vm14, $0x0, v11;
	v11 =	vmov s0  }
0x165: {  	v9 =	vadd.f32 v10, v9;
	vm15 =	veq.s32 v11, v0  }
0x166: {  	v10 =	vnsel vm15, $0x0, v62  }
0x167: {  	s17 =	sadd.s32 $0x1, s17;
	v9 =	vadd.f32 v10, v9  }
0x168: {  	p0 =	sne.s32 s17, s9  }
.Ltmp6:
0x169: {  	[tilespmem:$0x9000] =	vst v9;
	(pc) =	sbr.rel @p0 .LBB2_1-.Ltmp6, $4  }
0x16a: {  	[hbm4b:s8+s3] =	stream.linear.scatter [tilespmem:s16], [sflag:$0x3], $0x80, $0x38;
	[tilespmem:$0x9080] =	vst v63  }
0x16b: {  	_ =	swait.ge [sflag:s10], $0x80  }
0x16c: {  	[sflag:s10] =	ssyncset.done $0x0  }
0x16d: {  	[sflag:s10] =	ssyncadd.s32 $0xFFFFFF80  }
0x16e: {  	_ =	sfence.sel $0x180000  }
0x16f: {  	[bflag:$0x0] =	sbarrier.arrive $0xFFFF  }
0x170: {  	_ =	strace $0x90000047  }
0x171: {  	s0 =	stileid.u32;
	[bflag:$0x2] =	sbarrier.arrive $0xFFFF  }
0x172: {  	p0 =	sne.s32 s0, $0x0;
	s0 =	rddreg [dreg:$0x3]  }
0x173: {  	s0 =	sadd.s32 @!p0 $0x100000, s0  }
0x174: {  	[sflag:s0] =	ssyncadd.tile.s32 @!p0 $0x1;
	_ =	shalt  }
.Lfunc_end2:
_tile_overlayer_lowered:
.L_overlay_start_2:
0x175: {  	(tag) =	ssettag $0x2  }
0x176: {  	s0 =	rddreg [dreg:$0x0];
	s2 =	stileid.u32  }
0x177: {  	s1 =	rddreg [dreg:$0x1];
	p0 =	sne.s32 s2, $0x0  }
0x178: {  	s3 =	rddreg [dreg:$0x2];
	[bflag:$0x3] =	sbarrier.arrive $0xFFFF;
	s2 =	simm.s32 @!p0 $0x1C03  }
0x179: {  	[timem:s3], [sflag:s2] =	dma.local @!p0 [hbm:s0], s1  }
0x17a: {  	s0 =	simm.s32 @!p0 $0x3  }
0x17b: {  	_ =	swait.ge @!p0 [sflag:s0], s1  }
0x17c: {  	s1 =	ssub.s32 @!p0 $0x0, s1;
	[sflag:s0] =	ssyncset.done @!p0 $0x0  }
0x17d: {  	[sflag:s0] =	ssyncadd.s32 @!p0 s1  }
0x17e: {  	[bflag:$0x3] =	sbarrier.arrive $0xFFFF  }
0x17f: {  	_ =	shalt  }

</sc_bundles>
